<compile_context>
chip_gen: v7x
topology: tpu7x:2x2x1
jax: 0.10.2.dev20260603
libtpu: 0.0.44.dev20260713+nightly
codegen_flags: <defaults>
</compile_context>

<pallas_src>
import functools

import jax
import jax.numpy as jnp
from jax import lax
from jax.experimental import pallas as pl
from jax.experimental.pallas import tpu as pltpu
from jax.experimental.pallas import tpu_sc as plsc

F32 = jnp.float32
NC = 2
NS = 16
NW = NC * NS
C = 120


def _sc_mesh():
    return plsc.VectorSubcoreMesh(
        core_axis_name="c", subcore_axis_name="s",
        num_cores=NC, num_subcores=NS)



def _make_deg(n, nch):
    rpt = n // NS

    @functools.partial(
        pl.kernel,
        out_type=jax.ShapeDtypeStruct((NC, n), F32),
        mesh=_sc_mesh(),
        scratch_types=[
            pltpu.VMEM((nch, C), jnp.int32),
            pltpu.VMEM((C,), F32),
            pltpu.VMEM_SHARED((n,), F32),
        ],
    )
    def deg_kernel(dst_hbm, ones_hbm, zero_hbm, out_hbm, dstv, onesv, acc):
        cid = lax.axis_index("c")
        sid = lax.axis_index("s")
        wid = sid * NC + cid
        pltpu.sync_copy(dst_hbm.at[wid], dstv)
        pltpu.sync_copy(ones_hbm, onesv)
        pltpu.sync_copy(zero_hbm, acc.at[pl.ds(sid * rpt, rpt)])
        plsc.subcore_barrier()

        def step(j, carry):
            pltpu.sync_copy(onesv, acc.at[dstv.at[j]], add=True)
            return carry
        lax.fori_loop(0, nch, step, 0)

        plsc.subcore_barrier()
        pltpu.sync_copy(acc.at[pl.ds(sid * rpt, rpt)],
                        out_hbm.at[cid].at[pl.ds(sid * rpt, rpt)])

    return deg_kernel


def _make_msg(n, d, nch):
    rpt = n // NS

    @functools.partial(
        pl.kernel,
        out_type=jax.ShapeDtypeStruct((NC, n, d), F32),
        mesh=_sc_mesh(),
        scratch_types=[
            pltpu.VMEM((nch, C), jnp.int32),
            pltpu.VMEM((nch, C), jnp.int32),
            pltpu.VMEM((C, d), F32),
            pltpu.VMEM_SHARED((n, d), F32),
            pltpu.SemaphoreType.DMA,
        ],
    )
    def msg_kernel(hs_hbm, src_hbm, dst_hbm, zero_hbm, out_hbm,
                   srcv, dstv, rowsv, acc, sem):
        cid = lax.axis_index("c")
        sid = lax.axis_index("s")
        wid = sid * NC + cid
        pltpu.sync_copy(src_hbm.at[wid], srcv)
        pltpu.async_copy(hs_hbm.at[srcv.at[0]], rowsv, sem)
        pltpu.sync_copy(dst_hbm.at[wid], dstv)
        pltpu.sync_copy(zero_hbm, acc.at[pl.ds(sid * rpt, rpt)])
        plsc.subcore_barrier()

        def step(j, carry):
            pltpu.make_async_copy(hs_hbm.at[srcv.at[j]], rowsv, sem).wait()
            pltpu.sync_copy(rowsv, acc.at[dstv.at[j]], add=True)

            @pl.when(j + 1 < nch)
            def _():
                pltpu.async_copy(hs_hbm.at[srcv.at[j + 1]], rowsv, sem)
            return carry
        lax.fori_loop(0, nch, step, 0)

        plsc.subcore_barrier()
        pltpu.sync_copy(acc.at[pl.ds(sid * rpt, rpt)],
                        out_hbm.at[cid].at[pl.ds(sid * rpt, rpt)])

    return msg_kernel



def _dinv_of(deg_blk):
    return lax.rsqrt(deg_blk[0] + deg_blk[1] + 1.0)


def _tc_first(degp, x, w):
    n, d = x.shape
    blk = n // 10

    def body(deg_ref, x_ref, w_ref, o_ref):
        dinv = _dinv_of(deg_ref[...])
        o_ref[...] = jnp.dot(x_ref[...], w_ref[...],
                             preferred_element_type=F32) * dinv

    return pl.pallas_call(
        body,
        grid=(n // blk,),
        in_specs=[
            pl.BlockSpec((NC, blk, 1), lambda i: (0, i, 0)),
            pl.BlockSpec((blk, d), lambda i: (i, 0)),
            pl.BlockSpec((d, d), lambda i: (0, 0)),
        ],
        out_specs=pl.BlockSpec((blk, d), lambda i: (i, 0)),
        out_shape=jax.ShapeDtypeStruct((n, d), F32),
    )(degp, x, w)


def _tc_mid(degp, p, hs, b, w):
    n, d = hs.shape
    blk = n // 10

    def body(deg_ref, p_ref, hs_ref, b_ref, w_ref, o_ref):
        dinv = _dinv_of(deg_ref[...])
        pp = p_ref[...]
        o = jnp.maximum((pp[0] + pp[1] + hs_ref[...]) * dinv + b_ref[...], 0.0)
        o_ref[...] = jnp.dot(o, w_ref[...], preferred_element_type=F32) * dinv

    return pl.pallas_call(
        body,
        grid=(n // blk,),
        in_specs=[
            pl.BlockSpec((NC, blk, 1), lambda i: (0, i, 0)),
            pl.BlockSpec((NC, blk, d), lambda i: (0, i, 0)),
            pl.BlockSpec((blk, d), lambda i: (i, 0)),
            pl.BlockSpec((1, d), lambda i: (0, 0)),
            pl.BlockSpec((d, d), lambda i: (0, 0)),
        ],
        out_specs=pl.BlockSpec((blk, d), lambda i: (i, 0)),
        out_shape=jax.ShapeDtypeStruct((n, d), F32),
    )(degp, p, hs, b, w)


def _tc_final(degp, p, hs, b):
    n, d = hs.shape
    blk = n // 10

    def body(deg_ref, p_ref, hs_ref, b_ref, o_ref):
        dinv = _dinv_of(deg_ref[...])
        pp = p_ref[...]
        o_ref[...] = jnp.maximum(
            (pp[0] + pp[1] + hs_ref[...]) * dinv + b_ref[...], 0.0)

    return pl.pallas_call(
        body,
        grid=(n // blk,),
        in_specs=[
            pl.BlockSpec((NC, blk, 1), lambda i: (0, i, 0)),
            pl.BlockSpec((NC, blk, d), lambda i: (0, i, 0)),
            pl.BlockSpec((blk, d), lambda i: (i, 0)),
            pl.BlockSpec((1, d), lambda i: (0, 0)),
        ],
        out_specs=pl.BlockSpec((blk, d), lambda i: (i, 0)),
        out_shape=jax.ShapeDtypeStruct((n, d), F32),
    )(degp, p, hs, b)



def kernel(x, edge_index, W1, b1, W2, b2, W3, b3):
    n, d = x.shape
    e = edge_index.shape[1]
    nch = (e + NW * C - 1) // (NW * C)
    ep = NW * nch * C
    n_deg = ((n + NS * 128 - 1) // (NS * 128)) * (NS * 128)
    n_acc = n_deg

    trash = n + jnp.arange(ep - e, dtype=jnp.int32) % (n_acc - n)
    src = jnp.pad(edge_index[0].astype(jnp.int32), (0, ep - e)
                  ).reshape(NW, nch, C)
    dst = jnp.concatenate([edge_index[1].astype(jnp.int32), trash]
                          ).reshape(NW, nch, C)
    ones_r = jnp.ones((C,), F32)
    zdeg = jnp.zeros((n_deg // NS,), F32)
    zmsg = jnp.zeros((n_acc // NS, d), F32)

    deg_fn = _make_deg(n_deg, nch)
    msg_fn = _make_msg(n_acc, d, nch)

    degp = deg_fn(dst, ones_r, zdeg).reshape(NC, n_deg, 1)
    hs1 = _tc_first(degp, x, W1)
    p1 = msg_fn(hs1, src, dst, zmsg)
    hs2 = _tc_mid(degp, p1, hs1, b1.reshape(1, -1), W2)
    p2 = msg_fn(hs2, src, dst, zmsg)
    hs3 = _tc_mid(degp, p2, hs2, b2.reshape(1, -1), W3)
    p3 = msg_fn(hs3, src, dst, zmsg)
    return _tc_final(degp, p3, hs3, b3.reshape(1, -1))

# --- scband reference (transcript-rebuilt; emitter-appended) ---
"""Pipeline reference for scband-improved-gcnencoder-13520557048097 (READ-ONLY COPY).

The authoritative reference and input builder live on the scoring server;
editing this copy changes nothing except your own understanding.
"""

import jax, jax.numpy as jnp
import numpy as np

N = 10000
D_IN = 128
D_HID = 128
D_OUT = 128
E = 320000


def setup_inputs(seed: int = 0) -> dict:
    key = jax.random.key(seed)
    ks = jax.random.split(key, 8)
    x = jax.random.normal(ks[0], (N, D_IN), dtype=jnp.float32)
    edge_index = jax.random.randint(ks[1], (2, E), 0, N).astype(jnp.int64)
    W1 = jax.random.normal(ks[2], (D_IN, D_HID), dtype=jnp.float32) * (1.0 / np.sqrt(D_IN))
    b1 = jnp.zeros((D_HID,), dtype=jnp.float32)
    W2 = jax.random.normal(ks[3], (D_HID, D_HID), dtype=jnp.float32) * (1.0 / np.sqrt(D_HID))
    b2 = jnp.zeros((D_HID,), dtype=jnp.float32)
    W3 = jax.random.normal(ks[4], (D_HID, D_OUT), dtype=jnp.float32) * (1.0 / np.sqrt(D_HID))
    b3 = jnp.zeros((D_OUT,), dtype=jnp.float32)
    return {"x": x, "edge_index": edge_index, "W1": W1, "b1": b1, "W2": W2, "b2": b2, "W3": W3, "b3": b3}


def _add_self_loops(edge_index):
    loop = jnp.arange(N, dtype=edge_index.dtype)
    loops = jnp.stack([loop, loop], axis=0)
    return jnp.concatenate([edge_index, loops], axis=1)


def _gcn_conv(x, edge_index_sl, W, b):
    # PyG GCNConv: linear transform first, then symmetric-normalized propagate, then bias
    h = x @ W
    src = edge_index_sl[0]
    dst = edge_index_sl[1]
    ones = jnp.ones((src.shape[0],), dtype=x.dtype)
    deg = jax.ops.segment_sum(ones, dst, num_segments=N)
    dinv = jnp.where(deg > 0, 1.0 / jnp.sqrt(deg), 0.0)
    norm = dinv[src] * dinv[dst]
    msg = h[src] * norm[:, None]
    out = jax.ops.segment_sum(msg, dst, num_segments=N)
    return out + b


def reference(x, edge_index, W1, b1, W2, b2, W3, b3):
    ei = _add_self_loops(edge_index)
    h = _gcn_conv(x, ei, W1, b1)
    h = jax.nn.relu(h)
    h = _gcn_conv(h, ei, W2, b2)
    h = jax.nn.relu(h)
    h = _gcn_conv(h, ei, W3, b3)
    h = jax.nn.relu(h)
    return h

if __name__ == "__main__":
    import jax
    _d = setup_inputs()
    print(jax.jit(kernel)(*tuple(_d.values())))

</pallas_src>

<mosaic_0001>
#map = affine_map<(d0, d1) -> (0, 0, 0)>
#map1 = affine_map<(d0, d1) -> (0)>
#map2 = affine_map<(d0, d1) -> (0, 0)>
module attributes {stable_mosaic.version = 14 : i64} {
  func.func @deg_kernel(%arg0: i32, %arg1: i32, %arg2: memref<32x84x120xi32, #tpu.memory_space<hbm>>, %arg3: memref<120xf32, #tpu.memory_space<hbm>>, %arg4: memref<640xf32, #tpu.memory_space<hbm>>, %arg5: memref<2x10240xf32, #tpu.memory_space<hbm>>, %arg6: memref<84x120xi32, #tpu.memory_space<vmem>>, %arg7: memref<120xf32, #tpu.memory_space<vmem>>, %arg8: memref<10240xf32, #tpu.memory_space<vmem_shared>>) attributes {dimension_semantics = [#tpu.dimension_semantics<core_parallel>, #tpu.dimension_semantics<subcore_parallel>], iteration_bounds = array<i64: 2, 16>, scalar_prefetch = 0 : i64, scratch_operands = 3 : i64, tpu.core_type = #tpu.core_type<sc_vector_subcore>, window_params = [{transform_indices = #map}, {transform_indices = #map1}, {transform_indices = #map1}, {transform_indices = #map2}]} {
    %mul3A = arith.constant 2 : i32
    %mul3A_0 = arith.muli %arg1, %mul3A : i32
    %add3A = arith.addi %mul3A_0, %arg0 : i32
    "tpu.region"() ({
      %run_scoped3A = tpu.sem_alloc : memref<!tpu.dma_semaphore, #tpu.memory_space<semaphore_mem>>
      %dma_start3A = arith.constant 0 : i32
      %dma_start3A_13 = arith.constant 0 : i32
      %dma_start3A_14 = tpu.memref_slice %arg2[%add3A, %dma_start3A, %dma_start3A_13] : memref<32x84x120xi32, #tpu.memory_space<hbm>> -> memref<1x84x120xi32, #tpu.memory_space<hbm>>
      %dma_start3A_15 = tpu.memref_squeeze %dma_start3A_14 : memref<1x84x120xi32, #tpu.memory_space<hbm>> -> memref<84x120xi32, #tpu.memory_space<hbm>>
      %dma_start3A_16 = arith.constant 0 : i32
      %dma_start3A_17 = arith.constant 0 : i32
      %dma_start3A_18 = tpu.memref_slice %arg2[%add3A, %dma_start3A_16, %dma_start3A_17] : memref<32x84x120xi32, #tpu.memory_space<hbm>> -> memref<1x84x120xi32, #tpu.memory_space<hbm>>
      %dma_start3A_19 = tpu.memref_squeeze %dma_start3A_18 : memref<1x84x120xi32, #tpu.memory_space<hbm>> -> memref<84x120xi32, #tpu.memory_space<hbm>>
      tpu.enqueue_dma source(%dma_start3A_19 : memref<84x120xi32, #tpu.memory_space<hbm>>) target(%arg6 : memref<84x120xi32, #tpu.memory_space<vmem>>) target_semaphore(%run_scoped3A : memref<!tpu.dma_semaphore, #tpu.memory_space<semaphore_mem>>)
      %dma_wait3A = arith.constant 0 : i32
      %dma_wait3A_20 = arith.constant 0 : i32
      %dma_wait3A_21 = tpu.memref_slice %arg2[%add3A, %dma_wait3A, %dma_wait3A_20] : memref<32x84x120xi32, #tpu.memory_space<hbm>> -> memref<1x84x120xi32, #tpu.memory_space<hbm>>
      %dma_wait3A_22 = tpu.memref_squeeze %dma_wait3A_21 : memref<1x84x120xi32, #tpu.memory_space<hbm>> -> memref<84x120xi32, #tpu.memory_space<hbm>>
      %dma_wait3A_23 = arith.constant 0 : i32
      %dma_wait3A_24 = arith.constant 0 : i32
      %dma_wait3A_25 = tpu.memref_slice %arg2[%add3A, %dma_wait3A_23, %dma_wait3A_24] : memref<32x84x120xi32, #tpu.memory_space<hbm>> -> memref<1x84x120xi32, #tpu.memory_space<hbm>>
      %dma_wait3A_26 = tpu.memref_squeeze %dma_wait3A_25 : memref<1x84x120xi32, #tpu.memory_space<hbm>> -> memref<84x120xi32, #tpu.memory_space<hbm>>
      tpu.wait_dma2 semaphore(%run_scoped3A : memref<!tpu.dma_semaphore, #tpu.memory_space<semaphore_mem>>) src(%dma_wait3A_26 : memref<84x120xi32, #tpu.memory_space<hbm>>) dst(%arg6 : memref<84x120xi32, #tpu.memory_space<vmem>>)
      tpu.yield
    }) : () -> ()
    "tpu.region"() ({
      %run_scoped3A = tpu.sem_alloc : memref<!tpu.dma_semaphore, #tpu.memory_space<semaphore_mem>>
      tpu.enqueue_dma source(%arg3 : memref<120xf32, #tpu.memory_space<hbm>>) target(%arg7 : memref<120xf32, #tpu.memory_space<vmem>>) target_semaphore(%run_scoped3A : memref<!tpu.dma_semaphore, #tpu.memory_space<semaphore_mem>>)
      tpu.wait_dma2 semaphore(%run_scoped3A : memref<!tpu.dma_semaphore, #tpu.memory_space<semaphore_mem>>) src(%arg3 : memref<120xf32, #tpu.memory_space<hbm>>) dst(%arg7 : memref<120xf32, #tpu.memory_space<vmem>>)
      tpu.yield
    }) : () -> ()
    %mul3A_1 = arith.constant 640 : i32
    %mul3A_2 = arith.muli %arg1, %mul3A_1 : i32
    "tpu.region"() ({
      %run_scoped3A = tpu.sem_alloc : memref<!tpu.dma_semaphore, #tpu.memory_space<semaphore_mem>>
      %dma_start3A = tpu.memref_slice %arg8[%mul3A_2] : memref<10240xf32, #tpu.memory_space<vmem_shared>> -> memref<640xf32, #tpu.memory_space<vmem_shared>>
      tpu.enqueue_dma source(%arg4 : memref<640xf32, #tpu.memory_space<hbm>>) target(%dma_start3A : memref<640xf32, #tpu.memory_space<vmem_shared>>) target_semaphore(%run_scoped3A : memref<!tpu.dma_semaphore, #tpu.memory_space<semaphore_mem>>)
      %dma_wait3A = tpu.memref_slice %arg8[%mul3A_2] : memref<10240xf32, #tpu.memory_space<vmem_shared>> -> memref<640xf32, #tpu.memory_space<vmem_shared>>
      tpu.wait_dma2 semaphore(%run_scoped3A : memref<!tpu.dma_semaphore, #tpu.memory_space<semaphore_mem>>) src(%arg4 : memref<640xf32, #tpu.memory_space<hbm>>) dst(%dma_wait3A : memref<640xf32, #tpu.memory_space<vmem_shared>>)
      tpu.yield
    }) : () -> ()
    %barrier3A = arith.constant 0 : index
    tpu.barrier barrier_id(%barrier3A)
    %scan3A = arith.constant 0 : i32
    %scan3A_3 = arith.constant 0 : i32
    %scan3A_4 = arith.constant 84 : i32
    %scan3A_5 = arith.addi %scan3A_3, %scan3A_4 : i32
    %scan3A_6 = arith.constant 1 : i32
    scf.for %scan3A_13 = %scan3A_3 to %scan3A_5 step %scan3A_6  : i32 {
      "tpu.region"() ({
        %run_scoped3A = tpu.sem_alloc : memref<!tpu.dma_semaphore, #tpu.memory_space<semaphore_mem>>
        %dma_start3A = arith.constant 0 : i32
        %dma_start3A_14 = tpu.memref_slice %arg6[%scan3A_13, %dma_start3A] : memref<84x120xi32, #tpu.memory_space<vmem>> -> memref<1x120xi32, #tpu.memory_space<vmem>>
        %dma_start3A_15 = tpu.memref_squeeze %dma_start3A_14 : memref<1x120xi32, #tpu.memory_space<vmem>> -> memref<120xi32, #tpu.memory_space<vmem>>
        %dma_start3A_16 = arith.constant 0 : i32
        %dma_start3A_17 = tpu.memref_slice %arg8[%dma_start3A_16] : memref<10240xf32, #tpu.memory_space<vmem_shared>> -> memref<10240xf32, #tpu.memory_space<vmem_shared>>
        tpu.enqueue_indirect_dma source(%arg7 : memref<120xf32, #tpu.memory_space<vmem>>) target(%dma_start3A_17 : memref<10240xf32, #tpu.memory_space<vmem_shared>>) offsets(%dma_start3A_15 : memref<120xi32, #tpu.memory_space<vmem>>) semaphore(%run_scoped3A : memref<!tpu.dma_semaphore, #tpu.memory_space<semaphore_mem>>) {add = true}
        %dma_wait3A = arith.constant 0 : i32
        %dma_wait3A_18 = tpu.memref_slice %arg6[%scan3A_13, %dma_wait3A] : memref<84x120xi32, #tpu.memory_space<vmem>> -> memref<1x120xi32, #tpu.memory_space<vmem>>
        %dma_wait3A_19 = tpu.memref_squeeze %dma_wait3A_18 : memref<1x120xi32, #tpu.memory_space<vmem>> -> memref<120xi32, #tpu.memory_space<vmem>>
        %dma_wait3A_20 = arith.constant 0 : i32
        %dma_wait3A_21 = tpu.memref_slice %arg8[%dma_wait3A_20] : memref<10240xf32, #tpu.memory_space<vmem_shared>> -> memref<10240xf32, #tpu.memory_space<vmem_shared>>
        tpu.wait_indirect_dma semaphore(%run_scoped3A : memref<!tpu.dma_semaphore, #tpu.memory_space<semaphore_mem>>) src(%arg7 : memref<120xf32, #tpu.memory_space<vmem>>) dst(%dma_wait3A_21 : memref<10240xf32, #tpu.memory_space<vmem_shared>>)
        tpu.yield
      }) : () -> ()
    }
    %scan3A_7 = arith.constant 84 : i32
    %barrier3A_8 = arith.constant 0 : index
    tpu.barrier barrier_id(%barrier3A_8)
    %mul3A_9 = arith.constant 640 : i32
    %mul3A_10 = arith.muli %arg1, %mul3A_9 : i32
    %mul3A_11 = arith.constant 640 : i32
    %mul3A_12 = arith.muli %arg1, %mul3A_11 : i32
    "tpu.region"() ({
      %run_scoped3A = tpu.sem_alloc : memref<!tpu.dma_semaphore, #tpu.memory_space<semaphore_mem>>
      %dma_start3A = arith.constant 0 : i32
      %dma_start3A_13 = tpu.memref_slice %arg5[%arg0, %dma_start3A] : memref<2x10240xf32, #tpu.memory_space<hbm>> -> memref<1x10240xf32, #tpu.memory_space<hbm>>
      %dma_start3A_14 = tpu.memref_squeeze %dma_start3A_13 : memref<1x10240xf32, #tpu.memory_space<hbm>> -> memref<10240xf32, #tpu.memory_space<hbm>>
      %dma_start3A_15 = tpu.memref_slice %dma_start3A_14[%mul3A_12] : memref<10240xf32, #tpu.memory_space<hbm>> -> memref<640xf32, #tpu.memory_space<hbm>>
      %dma_start3A_16 = tpu.memref_slice %arg8[%mul3A_10] : memref<10240xf32, #tpu.memory_space<vmem_shared>> -> memref<640xf32, #tpu.memory_space<vmem_shared>>
      tpu.enqueue_dma source(%dma_start3A_16 : memref<640xf32, #tpu.memory_space<vmem_shared>>) target(%dma_start3A_15 : memref<640xf32, #tpu.memory_space<hbm>>) target_semaphore(%run_scoped3A : memref<!tpu.dma_semaphore, #tpu.memory_space<semaphore_mem>>)
      %dma_wait3A = arith.constant 0 : i32
      %dma_wait3A_17 = tpu.memref_slice %arg5[%arg0, %dma_wait3A] : memref<2x10240xf32, #tpu.memory_space<hbm>> -> memref<1x10240xf32, #tpu.memory_space<hbm>>
      %dma_wait3A_18 = tpu.memref_squeeze %dma_wait3A_17 : memref<1x10240xf32, #tpu.memory_space<hbm>> -> memref<10240xf32, #tpu.memory_space<hbm>>
      %dma_wait3A_19 = tpu.memref_slice %dma_wait3A_18[%mul3A_12] : memref<10240xf32, #tpu.memory_space<hbm>> -> memref<640xf32, #tpu.memory_space<hbm>>
      %dma_wait3A_20 = tpu.memref_slice %arg8[%mul3A_10] : memref<10240xf32, #tpu.memory_space<vmem_shared>> -> memref<640xf32, #tpu.memory_space<vmem_shared>>
      tpu.wait_dma2 semaphore(%run_scoped3A : memref<!tpu.dma_semaphore, #tpu.memory_space<semaphore_mem>>) src(%dma_wait3A_20 : memref<640xf32, #tpu.memory_space<vmem_shared>>) dst(%dma_wait3A_19 : memref<640xf32, #tpu.memory_space<hbm>>)
      tpu.yield
    }) : () -> ()
    return
  }
}

#map = affine_map<(d0, d1) -> (0, 0)>
#map1 = affine_map<(d0, d1) -> (0, 0, 0)>
module attributes {stable_mosaic.version = 14 : i64} {
  func.func @msg_kernel(%arg0: i32, %arg1: i32, %arg2: memref<10000x128xf32, #tpu.memory_space<hbm>>, %arg3: memref<32x84x120xi32, #tpu.memory_space<hbm>>, %arg4: memref<32x84x120xi32, #tpu.memory_space<hbm>>, %arg5: memref<640x128xf32, #tpu.memory_space<hbm>>, %arg6: memref<2x10240x128xf32, #tpu.memory_space<hbm>>, %arg7: memref<84x120xi32, #tpu.memory_space<vmem>>, %arg8: memref<84x120xi32, #tpu.memory_space<vmem>>, %arg9: memref<120x128xf32, #tpu.memory_space<vmem>>, %arg10: memref<10240x128xf32, #tpu.memory_space<vmem_shared>>, %arg11: memref<!tpu.dma_semaphore, #tpu.memory_space<semaphore_mem>>) attributes {dimension_semantics = [#tpu.dimension_semantics<core_parallel>, #tpu.dimension_semantics<subcore_parallel>], iteration_bounds = array<i64: 2, 16>, scalar_prefetch = 0 : i64, scratch_operands = 5 : i64, tpu.core_type = #tpu.core_type<sc_vector_subcore>, window_params = [{transform_indices = #map}, {transform_indices = #map1}, {transform_indices = #map1}, {transform_indices = #map}, {transform_indices = #map1}]} {
    %mul3A = arith.constant 2 : i32
    %mul3A_0 = arith.muli %arg1, %mul3A : i32
    %add3A = arith.addi %mul3A_0, %arg0 : i32
    "tpu.region"() ({
      %run_scoped3A = tpu.sem_alloc : memref<!tpu.dma_semaphore, #tpu.memory_space<semaphore_mem>>
      %dma_start3A_19 = arith.constant 0 : i32
      %dma_start3A_20 = arith.constant 0 : i32
      %dma_start3A_21 = tpu.memref_slice %arg3[%add3A, %dma_start3A_19, %dma_start3A_20] : memref<32x84x120xi32, #tpu.memory_space<hbm>> -> memref<1x84x120xi32, #tpu.memory_space<hbm>>
      %dma_start3A_22 = tpu.memref_squeeze %dma_start3A_21 : memref<1x84x120xi32, #tpu.memory_space<hbm>> -> memref<84x120xi32, #tpu.memory_space<hbm>>
      %dma_start3A_23 = arith.constant 0 : i32
      %dma_start3A_24 = arith.constant 0 : i32
      %dma_start3A_25 = tpu.memref_slice %arg3[%add3A, %dma_start3A_23, %dma_start3A_24] : memref<32x84x120xi32, #tpu.memory_space<hbm>> -> memref<1x84x120xi32, #tpu.memory_space<hbm>>
      %dma_start3A_26 = tpu.memref_squeeze %dma_start3A_25 : memref<1x84x120xi32, #tpu.memory_space<hbm>> -> memref<84x120xi32, #tpu.memory_space<hbm>>
      tpu.enqueue_dma source(%dma_start3A_26 : memref<84x120xi32, #tpu.memory_space<hbm>>) target(%arg7 : memref<84x120xi32, #tpu.memory_space<vmem>>) target_semaphore(%run_scoped3A : memref<!tpu.dma_semaphore, #tpu.memory_space<semaphore_mem>>)
      %dma_wait3A = arith.constant 0 : i32
      %dma_wait3A_27 = arith.constant 0 : i32
      %dma_wait3A_28 = tpu.memref_slice %arg3[%add3A, %dma_wait3A, %dma_wait3A_27] : memref<32x84x120xi32, #tpu.memory_space<hbm>> -> memref<1x84x120xi32, #tpu.memory_space<hbm>>
      %dma_wait3A_29 = tpu.memref_squeeze %dma_wait3A_28 : memref<1x84x120xi32, #tpu.memory_space<hbm>> -> memref<84x120xi32, #tpu.memory_space<hbm>>
      %dma_wait3A_30 = arith.constant 0 : i32
      %dma_wait3A_31 = arith.constant 0 : i32
      %dma_wait3A_32 = tpu.memref_slice %arg3[%add3A, %dma_wait3A_30, %dma_wait3A_31] : memref<32x84x120xi32, #tpu.memory_space<hbm>> -> memref<1x84x120xi32, #tpu.memory_space<hbm>>
      %dma_wait3A_33 = tpu.memref_squeeze %dma_wait3A_32 : memref<1x84x120xi32, #tpu.memory_space<hbm>> -> memref<84x120xi32, #tpu.memory_space<hbm>>
      tpu.wait_dma2 semaphore(%run_scoped3A : memref<!tpu.dma_semaphore, #tpu.memory_space<semaphore_mem>>) src(%dma_wait3A_33 : memref<84x120xi32, #tpu.memory_space<hbm>>) dst(%arg7 : memref<84x120xi32, #tpu.memory_space<vmem>>)
      tpu.yield
    }) : () -> ()
    %dma_start3A = arith.constant 0 : i32
    %dma_start3A_1 = arith.constant 0 : i32
    %dma_start3A_2 = tpu.memref_slice %arg7[%dma_start3A, %dma_start3A_1] : memref<84x120xi32, #tpu.memory_space<vmem>> -> memref<1x120xi32, #tpu.memory_space<vmem>>
    %dma_start3A_3 = tpu.memref_squeeze %dma_start3A_2 : memref<1x120xi32, #tpu.memory_space<vmem>> -> memref<120xi32, #tpu.memory_space<vmem>>
    %dma_start3A_4 = arith.constant 0 : i32
    %dma_start3A_5 = arith.constant 0 : i32
    %dma_start3A_6 = tpu.memref_slice %arg2[%dma_start3A_4, %dma_start3A_5] : memref<10000x128xf32, #tpu.memory_space<hbm>> -> memref<10000x128xf32, #tpu.memory_space<hbm>>
    tpu.enqueue_indirect_dma source(%dma_start3A_6 : memref<10000x128xf32, #tpu.memory_space<hbm>>) target(%arg9 : memref<120x128xf32, #tpu.memory_space<vmem>>) offsets(%dma_start3A_3 : memref<120xi32, #tpu.memory_space<vmem>>) semaphore(%arg11 : memref<!tpu.dma_semaphore, #tpu.memory_space<semaphore_mem>>)
    "tpu.region"() ({
      %run_scoped3A = tpu.sem_alloc : memref<!tpu.dma_semaphore, #tpu.memory_space<semaphore_mem>>
      %dma_start3A_19 = arith.constant 0 : i32
      %dma_start3A_20 = arith.constant 0 : i32
      %dma_start3A_21 = tpu.memref_slice %arg4[%add3A, %dma_start3A_19, %dma_start3A_20] : memref<32x84x120xi32, #tpu.memory_space<hbm>> -> memref<1x84x120xi32, #tpu.memory_space<hbm>>
      %dma_start3A_22 = tpu.memref_squeeze %dma_start3A_21 : memref<1x84x120xi32, #tpu.memory_space<hbm>> -> memref<84x120xi32, #tpu.memory_space<hbm>>
      %dma_start3A_23 = arith.constant 0 : i32
      %dma_start3A_24 = arith.constant 0 : i32
      %dma_start3A_25 = tpu.memref_slice %arg4[%add3A, %dma_start3A_23, %dma_start3A_24] : memref<32x84x120xi32, #tpu.memory_space<hbm>> -> memref<1x84x120xi32, #tpu.memory_space<hbm>>
      %dma_start3A_26 = tpu.memref_squeeze %dma_start3A_25 : memref<1x84x120xi32, #tpu.memory_space<hbm>> -> memref<84x120xi32, #tpu.memory_space<hbm>>
      tpu.enqueue_dma source(%dma_start3A_26 : memref<84x120xi32, #tpu.memory_space<hbm>>) target(%arg8 : memref<84x120xi32, #tpu.memory_space<vmem>>) target_semaphore(%run_scoped3A : memref<!tpu.dma_semaphore, #tpu.memory_space<semaphore_mem>>)
      %dma_wait3A = arith.constant 0 : i32
      %dma_wait3A_27 = arith.constant 0 : i32
      %dma_wait3A_28 = tpu.memref_slice %arg4[%add3A, %dma_wait3A, %dma_wait3A_27] : memref<32x84x120xi32, #tpu.memory_space<hbm>> -> memref<1x84x120xi32, #tpu.memory_space<hbm>>
      %dma_wait3A_29 = tpu.memref_squeeze %dma_wait3A_28 : memref<1x84x120xi32, #tpu.memory_space<hbm>> -> memref<84x120xi32, #tpu.memory_space<hbm>>
      %dma_wait3A_30 = arith.constant 0 : i32
      %dma_wait3A_31 = arith.constant 0 : i32
      %dma_wait3A_32 = tpu.memref_slice %arg4[%add3A, %dma_wait3A_30, %dma_wait3A_31] : memref<32x84x120xi32, #tpu.memory_space<hbm>> -> memref<1x84x120xi32, #tpu.memory_space<hbm>>
      %dma_wait3A_33 = tpu.memref_squeeze %dma_wait3A_32 : memref<1x84x120xi32, #tpu.memory_space<hbm>> -> memref<84x120xi32, #tpu.memory_space<hbm>>
      tpu.wait_dma2 semaphore(%run_scoped3A : memref<!tpu.dma_semaphore, #tpu.memory_space<semaphore_mem>>) src(%dma_wait3A_33 : memref<84x120xi32, #tpu.memory_space<hbm>>) dst(%arg8 : memref<84x120xi32, #tpu.memory_space<vmem>>)
      tpu.yield
    }) : () -> ()
    %mul3A_7 = arith.constant 640 : i32
    %mul3A_8 = arith.muli %arg1, %mul3A_7 : i32
    "tpu.region"() ({
      %run_scoped3A = tpu.sem_alloc : memref<!tpu.dma_semaphore, #tpu.memory_space<semaphore_mem>>
      %dma_start3A_19 = arith.constant 0 : i32
      %dma_start3A_20 = tpu.memref_slice %arg10[%mul3A_8, %dma_start3A_19] : memref<10240x128xf32, #tpu.memory_space<vmem_shared>> -> memref<640x128xf32, #tpu.memory_space<vmem_shared>>
      tpu.enqueue_dma source(%arg5 : memref<640x128xf32, #tpu.memory_space<hbm>>) target(%dma_start3A_20 : memref<640x128xf32, #tpu.memory_space<vmem_shared>>) target_semaphore(%run_scoped3A : memref<!tpu.dma_semaphore, #tpu.memory_space<semaphore_mem>>)
      %dma_wait3A = arith.constant 0 : i32
      %dma_wait3A_21 = tpu.memref_slice %arg10[%mul3A_8, %dma_wait3A] : memref<10240x128xf32, #tpu.memory_space<vmem_shared>> -> memref<640x128xf32, #tpu.memory_space<vmem_shared>>
      tpu.wait_dma2 semaphore(%run_scoped3A : memref<!tpu.dma_semaphore, #tpu.memory_space<semaphore_mem>>) src(%arg5 : memref<640x128xf32, #tpu.memory_space<hbm>>) dst(%dma_wait3A_21 : memref<640x128xf32, #tpu.memory_space<vmem_shared>>)
      tpu.yield
    }) : () -> ()
    %barrier3A = arith.constant 0 : index
    tpu.barrier barrier_id(%barrier3A)
    %scan3A = arith.constant 0 : i32
    %scan3A_9 = arith.constant 0 : i32
    %scan3A_10 = arith.constant 84 : i32
    %scan3A_11 = arith.addi %scan3A_9, %scan3A_10 : i32
    %scan3A_12 = arith.constant 1 : i32
    scf.for %scan3A_19 = %scan3A_9 to %scan3A_11 step %scan3A_12  : i32 {
      %dma_wait3A = arith.constant 0 : i32
      %dma_wait3A_20 = tpu.memref_slice %arg7[%scan3A_19, %dma_wait3A] : memref<84x120xi32, #tpu.memory_space<vmem>> -> memref<1x120xi32, #tpu.memory_space<vmem>>
      %dma_wait3A_21 = tpu.memref_squeeze %dma_wait3A_20 : memref<1x120xi32, #tpu.memory_space<vmem>> -> memref<120xi32, #tpu.memory_space<vmem>>
      %dma_wait3A_22 = arith.constant 0 : i32
      %dma_wait3A_23 = arith.constant 0 : i32
      %dma_wait3A_24 = tpu.memref_slice %arg2[%dma_wait3A_22, %dma_wait3A_23] : memref<10000x128xf32, #tpu.memory_space<hbm>> -> memref<10000x128xf32, #tpu.memory_space<hbm>>
      tpu.wait_indirect_dma semaphore(%arg11 : memref<!tpu.dma_semaphore, #tpu.memory_space<semaphore_mem>>) src(%dma_wait3A_24 : memref<10000x128xf32, #tpu.memory_space<hbm>>) dst(%arg9 : memref<120x128xf32, #tpu.memory_space<vmem>>)
      "tpu.region"() ({
        %run_scoped3A = tpu.sem_alloc : memref<!tpu.dma_semaphore, #tpu.memory_space<semaphore_mem>>
        %dma_start3A_29 = arith.constant 0 : i32
        %dma_start3A_30 = tpu.memref_slice %arg8[%scan3A_19, %dma_start3A_29] : memref<84x120xi32, #tpu.memory_space<vmem>> -> memref<1x120xi32, #tpu.memory_space<vmem>>
        %dma_start3A_31 = tpu.memref_squeeze %dma_start3A_30 : memref<1x120xi32, #tpu.memory_space<vmem>> -> memref<120xi32, #tpu.memory_space<vmem>>
        %dma_start3A_32 = arith.constant 0 : i32
        %dma_start3A_33 = arith.constant 0 : i32
        %dma_start3A_34 = tpu.memref_slice %arg10[%dma_start3A_32, %dma_start3A_33] : memref<10240x128xf32, #tpu.memory_space<vmem_shared>> -> memref<10240x128xf32, #tpu.memory_space<vmem_shared>>
        tpu.enqueue_indirect_dma source(%arg9 : memref<120x128xf32, #tpu.memory_space<vmem>>) target(%dma_start3A_34 : memref<10240x128xf32, #tpu.memory_space<vmem_shared>>) offsets(%dma_start3A_31 : memref<120xi32, #tpu.memory_space<vmem>>) semaphore(%run_scoped3A : memref<!tpu.dma_semaphore, #tpu.memory_space<semaphore_mem>>) {add = true}
        %dma_wait3A_35 = arith.constant 0 : i32
        %dma_wait3A_36 = tpu.memref_slice %arg8[%scan3A_19, %dma_wait3A_35] : memref<84x120xi32, #tpu.memory_space<vmem>> -> memref<1x120xi32, #tpu.memory_space<vmem>>
        %dma_wait3A_37 = tpu.memref_squeeze %dma_wait3A_36 : memref<1x120xi32, #tpu.memory_space<vmem>> -> memref<120xi32, #tpu.memory_space<vmem>>
        %dma_wait3A_38 = arith.constant 0 : i32
        %dma_wait3A_39 = arith.constant 0 : i32
        %dma_wait3A_40 = tpu.memref_slice %arg10[%dma_wait3A_38, %dma_wait3A_39] : memref<10240x128xf32, #tpu.memory_space<vmem_shared>> -> memref<10240x128xf32, #tpu.memory_space<vmem_shared>>
        tpu.wait_indirect_dma semaphore(%run_scoped3A : memref<!tpu.dma_semaphore, #tpu.memory_space<semaphore_mem>>) src(%arg9 : memref<120x128xf32, #tpu.memory_space<vmem>>) dst(%dma_wait3A_40 : memref<10240x128xf32, #tpu.memory_space<vmem_shared>>)
        tpu.yield
      }) : () -> ()
      %add3A_25 = arith.constant 1 : i32
      %add3A_26 = arith.addi %scan3A_19, %add3A_25 : i32
      %lt3A = arith.constant 84 : i32
      %lt3A_27 = arith.cmpi slt, %add3A_26, %lt3A : i32
      %convert_element_type3A = arith.extui %lt3A_27 : i1 to i32
      %cond3A = arith.constant 0 : i32
      %cond3A_28 = arith.cmpi ne, %convert_element_type3A, %cond3A : i32
      scf.if %cond3A_28 {
        %add3A_29 = arith.constant 1 : i32
        %add3A_30 = arith.addi %scan3A_19, %add3A_29 : i32
        %dma_start3A_31 = arith.constant 0 : i32
        %dma_start3A_32 = tpu.memref_slice %arg7[%add3A_30, %dma_start3A_31] : memref<84x120xi32, #tpu.memory_space<vmem>> -> memref<1x120xi32, #tpu.memory_space<vmem>>
        %dma_start3A_33 = tpu.memref_squeeze %dma_start3A_32 : memref<1x120xi32, #tpu.memory_space<vmem>> -> memref<120xi32, #tpu.memory_space<vmem>>
        %dma_start3A_34 = arith.constant 0 : i32
        %dma_start3A_35 = arith.constant 0 : i32
        %dma_start3A_36 = tpu.memref_slice %arg2[%dma_start3A_34, %dma_start3A_35] : memref<10000x128xf32, #tpu.memory_space<hbm>> -> memref<10000x128xf32, #tpu.memory_space<hbm>>
        tpu.enqueue_indirect_dma source(%dma_start3A_36 : memref<10000x128xf32, #tpu.memory_space<hbm>>) target(%arg9 : memref<120x128xf32, #tpu.memory_space<vmem>>) offsets(%dma_start3A_33 : memref<120xi32, #tpu.memory_space<vmem>>) semaphore(%arg11 : memref<!tpu.dma_semaphore, #tpu.memory_space<semaphore_mem>>)
      } else {
      }
    }
    %scan3A_13 = arith.constant 84 : i32
    %barrier3A_14 = arith.constant 0 : index
    tpu.barrier barrier_id(%barrier3A_14)
    %mul3A_15 = arith.constant 640 : i32
    %mul3A_16 = arith.muli %arg1, %mul3A_15 : i32
    %mul3A_17 = arith.constant 640 : i32
    %mul3A_18 = arith.muli %arg1, %mul3A_17 : i32
    "tpu.region"() ({
      %run_scoped3A = tpu.sem_alloc : memref<!tpu.dma_semaphore, #tpu.memory_space<semaphore_mem>>
      %dma_start3A_19 = arith.constant 0 : i32
      %dma_start3A_20 = arith.constant 0 : i32
      %dma_start3A_21 = tpu.memref_slice %arg6[%arg0, %dma_start3A_19, %dma_start3A_20] : memref<2x10240x128xf32, #tpu.memory_space<hbm>> -> memref<1x10240x128xf32, #tpu.memory_space<hbm>>
      %dma_start3A_22 = tpu.memref_squeeze %dma_start3A_21 : memref<1x10240x128xf32, #tpu.memory_space<hbm>> -> memref<10240x128xf32, #tpu.memory_space<hbm>>
      %dma_start3A_23 = arith.constant 0 : i32
      %dma_start3A_24 = tpu.memref_slice %dma_start3A_22[%mul3A_18, %dma_start3A_23] : memref<10240x128xf32, #tpu.memory_space<hbm>> -> memref<640x128xf32, #tpu.memory_space<hbm>>
      %dma_start3A_25 = arith.constant 0 : i32
      %dma_start3A_26 = tpu.memref_slice %arg10[%mul3A_16, %dma_start3A_25] : memref<10240x128xf32, #tpu.memory_space<vmem_shared>> -> memref<640x128xf32, #tpu.memory_space<vmem_shared>>
      tpu.enqueue_dma source(%dma_start3A_26 : memref<640x128xf32, #tpu.memory_space<vmem_shared>>) target(%dma_start3A_24 : memref<640x128xf32, #tpu.memory_space<hbm>>) target_semaphore(%run_scoped3A : memref<!tpu.dma_semaphore, #tpu.memory_space<semaphore_mem>>)
      %dma_wait3A = arith.constant 0 : i32
      %dma_wait3A_27 = arith.constant 0 : i32
      %dma_wait3A_28 = tpu.memref_slice %arg6[%arg0, %dma_wait3A, %dma_wait3A_27] : memref<2x10240x128xf32, #tpu.memory_space<hbm>> -> memref<1x10240x128xf32, #tpu.memory_space<hbm>>
      %dma_wait3A_29 = tpu.memref_squeeze %dma_wait3A_28 : memref<1x10240x128xf32, #tpu.memory_space<hbm>> -> memref<10240x128xf32, #tpu.memory_space<hbm>>
      %dma_wait3A_30 = arith.constant 0 : i32
      %dma_wait3A_31 = tpu.memref_slice %dma_wait3A_29[%mul3A_18, %dma_wait3A_30] : memref<10240x128xf32, #tpu.memory_space<hbm>> -> memref<640x128xf32, #tpu.memory_space<hbm>>
      %dma_wait3A_32 = arith.constant 0 : i32
      %dma_wait3A_33 = tpu.memref_slice %arg10[%mul3A_16, %dma_wait3A_32] : memref<10240x128xf32, #tpu.memory_space<vmem_shared>> -> memref<640x128xf32, #tpu.memory_space<vmem_shared>>
      tpu.wait_dma2 semaphore(%run_scoped3A : memref<!tpu.dma_semaphore, #tpu.memory_space<semaphore_mem>>) src(%dma_wait3A_33 : memref<640x128xf32, #tpu.memory_space<vmem_shared>>) dst(%dma_wait3A_31 : memref<640x128xf32, #tpu.memory_space<hbm>>)
      tpu.yield
    }) : () -> ()
    return
  }
}

#map = affine_map<(d0, d1) -> (0, 0)>
#map1 = affine_map<(d0, d1) -> (0, 0, 0)>
module attributes {stable_mosaic.version = 14 : i64} {
  func.func @msg_kernel(%arg0: i32, %arg1: i32, %arg2: memref<10000x128xf32, #tpu.memory_space<hbm>>, %arg3: memref<32x84x120xi32, #tpu.memory_space<hbm>>, %arg4: memref<32x84x120xi32, #tpu.memory_space<hbm>>, %arg5: memref<640x128xf32, #tpu.memory_space<hbm>>, %arg6: memref<2x10240x128xf32, #tpu.memory_space<hbm>>, %arg7: memref<84x120xi32, #tpu.memory_space<vmem>>, %arg8: memref<84x120xi32, #tpu.memory_space<vmem>>, %arg9: memref<120x128xf32, #tpu.memory_space<vmem>>, %arg10: memref<10240x128xf32, #tpu.memory_space<vmem_shared>>, %arg11: memref<!tpu.dma_semaphore, #tpu.memory_space<semaphore_mem>>) attributes {dimension_semantics = [#tpu.dimension_semantics<core_parallel>, #tpu.dimension_semantics<subcore_parallel>], iteration_bounds = array<i64: 2, 16>, scalar_prefetch = 0 : i64, scratch_operands = 5 : i64, tpu.core_type = #tpu.core_type<sc_vector_subcore>, window_params = [{transform_indices = #map}, {transform_indices = #map1}, {transform_indices = #map1}, {transform_indices = #map}, {transform_indices = #map1}]} {
    %mul3A = arith.constant 2 : i32
    %mul3A_0 = arith.muli %arg1, %mul3A : i32
    %add3A = arith.addi %mul3A_0, %arg0 : i32
    "tpu.region"() ({
      %run_scoped3A = tpu.sem_alloc : memref<!tpu.dma_semaphore, #tpu.memory_space<semaphore_mem>>
      %dma_start3A_19 = arith.constant 0 : i32
      %dma_start3A_20 = arith.constant 0 : i32
      %dma_start3A_21 = tpu.memref_slice %arg3[%add3A, %dma_start3A_19, %dma_start3A_20] : memref<32x84x120xi32, #tpu.memory_space<hbm>> -> memref<1x84x120xi32, #tpu.memory_space<hbm>>
      %dma_start3A_22 = tpu.memref_squeeze %dma_start3A_21 : memref<1x84x120xi32, #tpu.memory_space<hbm>> -> memref<84x120xi32, #tpu.memory_space<hbm>>
      %dma_start3A_23 = arith.constant 0 : i32
      %dma_start3A_24 = arith.constant 0 : i32
      %dma_start3A_25 = tpu.memref_slice %arg3[%add3A, %dma_start3A_23, %dma_start3A_24] : memref<32x84x120xi32, #tpu.memory_space<hbm>> -> memref<1x84x120xi32, #tpu.memory_space<hbm>>
      %dma_start3A_26 = tpu.memref_squeeze %dma_start3A_25 : memref<1x84x120xi32, #tpu.memory_space<hbm>> -> memref<84x120xi32, #tpu.memory_space<hbm>>
      tpu.enqueue_dma source(%dma_start3A_26 : memref<84x120xi32, #tpu.memory_space<hbm>>) target(%arg7 : memref<84x120xi32, #tpu.memory_space<vmem>>) target_semaphore(%run_scoped3A : memref<!tpu.dma_semaphore, #tpu.memory_space<semaphore_mem>>)
      %dma_wait3A = arith.constant 0 : i32
      %dma_wait3A_27 = arith.constant 0 : i32
      %dma_wait3A_28 = tpu.memref_slice %arg3[%add3A, %dma_wait3A, %dma_wait3A_27] : memref<32x84x120xi32, #tpu.memory_space<hbm>> -> memref<1x84x120xi32, #tpu.memory_space<hbm>>
      %dma_wait3A_29 = tpu.memref_squeeze %dma_wait3A_28 : memref<1x84x120xi32, #tpu.memory_space<hbm>> -> memref<84x120xi32, #tpu.memory_space<hbm>>
      %dma_wait3A_30 = arith.constant 0 : i32
      %dma_wait3A_31 = arith.constant 0 : i32
      %dma_wait3A_32 = tpu.memref_slice %arg3[%add3A, %dma_wait3A_30, %dma_wait3A_31] : memref<32x84x120xi32, #tpu.memory_space<hbm>> -> memref<1x84x120xi32, #tpu.memory_space<hbm>>
      %dma_wait3A_33 = tpu.memref_squeeze %dma_wait3A_32 : memref<1x84x120xi32, #tpu.memory_space<hbm>> -> memref<84x120xi32, #tpu.memory_space<hbm>>
      tpu.wait_dma2 semaphore(%run_scoped3A : memref<!tpu.dma_semaphore, #tpu.memory_space<semaphore_mem>>) src(%dma_wait3A_33 : memref<84x120xi32, #tpu.memory_space<hbm>>) dst(%arg7 : memref<84x120xi32, #tpu.memory_space<vmem>>)
      tpu.yield
    }) : () -> ()
    %dma_start3A = arith.constant 0 : i32
    %dma_start3A_1 = arith.constant 0 : i32
    %dma_start3A_2 = tpu.memref_slice %arg7[%dma_start3A, %dma_start3A_1] : memref<84x120xi32, #tpu.memory_space<vmem>> -> memref<1x120xi32, #tpu.memory_space<vmem>>
    %dma_start3A_3 = tpu.memref_squeeze %dma_start3A_2 : memref<1x120xi32, #tpu.memory_space<vmem>> -> memref<120xi32, #tpu.memory_space<vmem>>
    %dma_start3A_4 = arith.constant 0 : i32
    %dma_start3A_5 = arith.constant 0 : i32
    %dma_start3A_6 = tpu.memref_slice %arg2[%dma_start3A_4, %dma_start3A_5] : memref<10000x128xf32, #tpu.memory_space<hbm>> -> memref<10000x128xf32, #tpu.memory_space<hbm>>
    tpu.enqueue_indirect_dma source(%dma_start3A_6 : memref<10000x128xf32, #tpu.memory_space<hbm>>) target(%arg9 : memref<120x128xf32, #tpu.memory_space<vmem>>) offsets(%dma_start3A_3 : memref<120xi32, #tpu.memory_space<vmem>>) semaphore(%arg11 : memref<!tpu.dma_semaphore, #tpu.memory_space<semaphore_mem>>)
    "tpu.region"() ({
      %run_scoped3A = tpu.sem_alloc : memref<!tpu.dma_semaphore, #tpu.memory_space<semaphore_mem>>
      %dma_start3A_19 = arith.constant 0 : i32
      %dma_start3A_20 = arith.constant 0 : i32
      %dma_start3A_21 = tpu.memref_slice %arg4[%add3A, %dma_start3A_19, %dma_start3A_20] : memref<32x84x120xi32, #tpu.memory_space<hbm>> -> memref<1x84x120xi32, #tpu.memory_space<hbm>>
      %dma_start3A_22 = tpu.memref_squeeze %dma_start3A_21 : memref<1x84x120xi32, #tpu.memory_space<hbm>> -> memref<84x120xi32, #tpu.memory_space<hbm>>
      %dma_start3A_23 = arith.constant 0 : i32
      %dma_start3A_24 = arith.constant 0 : i32
      %dma_start3A_25 = tpu.memref_slice %arg4[%add3A, %dma_start3A_23, %dma_start3A_24] : memref<32x84x120xi32, #tpu.memory_space<hbm>> -> memref<1x84x120xi32, #tpu.memory_space<hbm>>
      %dma_start3A_26 = tpu.memref_squeeze %dma_start3A_25 : memref<1x84x120xi32, #tpu.memory_space<hbm>> -> memref<84x120xi32, #tpu.memory_space<hbm>>
      tpu.enqueue_dma source(%dma_start3A_26 : memref<84x120xi32, #tpu.memory_space<hbm>>) target(%arg8 : memref<84x120xi32, #tpu.memory_space<vmem>>) target_semaphore(%run_scoped3A : memref<!tpu.dma_semaphore, #tpu.memory_space<semaphore_mem>>)
      %dma_wait3A = arith.constant 0 : i32
      %dma_wait3A_27 = arith.constant 0 : i32
      %dma_wait3A_28 = tpu.memref_slice %arg4[%add3A, %dma_wait3A, %dma_wait3A_27] : memref<32x84x120xi32, #tpu.memory_space<hbm>> -> memref<1x84x120xi32, #tpu.memory_space<hbm>>
      %dma_wait3A_29 = tpu.memref_squeeze %dma_wait3A_28 : memref<1x84x120xi32, #tpu.memory_space<hbm>> -> memref<84x120xi32, #tpu.memory_space<hbm>>
      %dma_wait3A_30 = arith.constant 0 : i32
      %dma_wait3A_31 = arith.constant 0 : i32
      %dma_wait3A_32 = tpu.memref_slice %arg4[%add3A, %dma_wait3A_30, %dma_wait3A_31] : memref<32x84x120xi32, #tpu.memory_space<hbm>> -> memref<1x84x120xi32, #tpu.memory_space<hbm>>
      %dma_wait3A_33 = tpu.memref_squeeze %dma_wait3A_32 : memref<1x84x120xi32, #tpu.memory_space<hbm>> -> memref<84x120xi32, #tpu.memory_space<hbm>>
      tpu.wait_dma2 semaphore(%run_scoped3A : memref<!tpu.dma_semaphore, #tpu.memory_space<semaphore_mem>>) src(%dma_wait3A_33 : memref<84x120xi32, #tpu.memory_space<hbm>>) dst(%arg8 : memref<84x120xi32, #tpu.memory_space<vmem>>)
      tpu.yield
    }) : () -> ()
    %mul3A_7 = arith.constant 640 : i32
    %mul3A_8 = arith.muli %arg1, %mul3A_7 : i32
    "tpu.region"() ({
      %run_scoped3A = tpu.sem_alloc : memref<!tpu.dma_semaphore, #tpu.memory_space<semaphore_mem>>
      %dma_start3A_19 = arith.constant 0 : i32
      %dma_start3A_20 = tpu.memref_slice %arg10[%mul3A_8, %dma_start3A_19] : memref<10240x128xf32, #tpu.memory_space<vmem_shared>> -> memref<640x128xf32, #tpu.memory_space<vmem_shared>>
      tpu.enqueue_dma source(%arg5 : memref<640x128xf32, #tpu.memory_space<hbm>>) target(%dma_start3A_20 : memref<640x128xf32, #tpu.memory_space<vmem_shared>>) target_semaphore(%run_scoped3A : memref<!tpu.dma_semaphore, #tpu.memory_space<semaphore_mem>>)
      %dma_wait3A = arith.constant 0 : i32
      %dma_wait3A_21 = tpu.memref_slice %arg10[%mul3A_8, %dma_wait3A] : memref<10240x128xf32, #tpu.memory_space<vmem_shared>> -> memref<640x128xf32, #tpu.memory_space<vmem_shared>>
      tpu.wait_dma2 semaphore(%run_scoped3A : memref<!tpu.dma_semaphore, #tpu.memory_space<semaphore_mem>>) src(%arg5 : memref<640x128xf32, #tpu.memory_space<hbm>>) dst(%dma_wait3A_21 : memref<640x128xf32, #tpu.memory_space<vmem_shared>>)
      tpu.yield
    }) : () -> ()
    %barrier3A = arith.constant 0 : index
    tpu.barrier barrier_id(%barrier3A)
    %scan3A = arith.constant 0 : i32
    %scan3A_9 = arith.constant 0 : i32
    %scan3A_10 = arith.constant 84 : i32
    %scan3A_11 = arith.addi %scan3A_9, %scan3A_10 : i32
    %scan3A_12 = arith.constant 1 : i32
    scf.for %scan3A_19 = %scan3A_9 to %scan3A_11 step %scan3A_12  : i32 {
      %dma_wait3A = arith.constant 0 : i32
      %dma_wait3A_20 = tpu.memref_slice %arg7[%scan3A_19, %dma_wait3A] : memref<84x120xi32, #tpu.memory_space<vmem>> -> memref<1x120xi32, #tpu.memory_space<vmem>>
      %dma_wait3A_21 = tpu.memref_squeeze %dma_wait3A_20 : memref<1x120xi32, #tpu.memory_space<vmem>> -> memref<120xi32, #tpu.memory_space<vmem>>
      %dma_wait3A_22 = arith.constant 0 : i32
      %dma_wait3A_23 = arith.constant 0 : i32
      %dma_wait3A_24 = tpu.memref_slice %arg2[%dma_wait3A_22, %dma_wait3A_23] : memref<10000x128xf32, #tpu.memory_space<hbm>> -> memref<10000x128xf32, #tpu.memory_space<hbm>>
      tpu.wait_indirect_dma semaphore(%arg11 : memref<!tpu.dma_semaphore, #tpu.memory_space<semaphore_mem>>) src(%dma_wait3A_24 : memref<10000x128xf32, #tpu.memory_space<hbm>>) dst(%arg9 : memref<120x128xf32, #tpu.memory_space<vmem>>)
      "tpu.region"() ({
        %run_scoped3A = tpu.sem_alloc : memref<!tpu.dma_semaphore, #tpu.memory_space<semaphore_mem>>
        %dma_start3A_29 = arith.constant 0 : i32
        %dma_start3A_30 = tpu.memref_slice %arg8[%scan3A_19, %dma_start3A_29] : memref<84x120xi32, #tpu.memory_space<vmem>> -> memref<1x120xi32, #tpu.memory_space<vmem>>
        %dma_start3A_31 = tpu.memref_squeeze %dma_start3A_30 : memref<1x120xi32, #tpu.memory_space<vmem>> -> memref<120xi32, #tpu.memory_space<vmem>>
        %dma_start3A_32 = arith.constant 0 : i32
        %dma_start3A_33 = arith.constant 0 : i32
        %dma_start3A_34 = tpu.memref_slice %arg10[%dma_start3A_32, %dma_start3A_33] : memref<10240x128xf32, #tpu.memory_space<vmem_shared>> -> memref<10240x128xf32, #tpu.memory_space<vmem_shared>>
        tpu.enqueue_indirect_dma source(%arg9 : memref<120x128xf32, #tpu.memory_space<vmem>>) target(%dma_start3A_34 : memref<10240x128xf32, #tpu.memory_space<vmem_shared>>) offsets(%dma_start3A_31 : memref<120xi32, #tpu.memory_space<vmem>>) semaphore(%run_scoped3A : memref<!tpu.dma_semaphore, #tpu.memory_space<semaphore_mem>>) {add = true}
        %dma_wait3A_35 = arith.constant 0 : i32
        %dma_wait3A_36 = tpu.memref_slice %arg8[%scan3A_19, %dma_wait3A_35] : memref<84x120xi32, #tpu.memory_space<vmem>> -> memref<1x120xi32, #tpu.memory_space<vmem>>
        %dma_wait3A_37 = tpu.memref_squeeze %dma_wait3A_36 : memref<1x120xi32, #tpu.memory_space<vmem>> -> memref<120xi32, #tpu.memory_space<vmem>>
        %dma_wait3A_38 = arith.constant 0 : i32
        %dma_wait3A_39 = arith.constant 0 : i32
        %dma_wait3A_40 = tpu.memref_slice %arg10[%dma_wait3A_38, %dma_wait3A_39] : memref<10240x128xf32, #tpu.memory_space<vmem_shared>> -> memref<10240x128xf32, #tpu.memory_space<vmem_shared>>
        tpu.wait_indirect_dma semaphore(%run_scoped3A : memref<!tpu.dma_semaphore, #tpu.memory_space<semaphore_mem>>) src(%arg9 : memref<120x128xf32, #tpu.memory_space<vmem>>) dst(%dma_wait3A_40 : memref<10240x128xf32, #tpu.memory_space<vmem_shared>>)
        tpu.yield
      }) : () -> ()
      %add3A_25 = arith.constant 1 : i32
      %add3A_26 = arith.addi %scan3A_19, %add3A_25 : i32
      %lt3A = arith.constant 84 : i32
      %lt3A_27 = arith.cmpi slt, %add3A_26, %lt3A : i32
      %convert_element_type3A = arith.extui %lt3A_27 : i1 to i32
      %cond3A = arith.constant 0 : i32
      %cond3A_28 = arith.cmpi ne, %convert_element_type3A, %cond3A : i32
      scf.if %cond3A_28 {
        %add3A_29 = arith.constant 1 : i32
        %add3A_30 = arith.addi %scan3A_19, %add3A_29 : i32
        %dma_start3A_31 = arith.constant 0 : i32
        %dma_start3A_32 = tpu.memref_slice %arg7[%add3A_30, %dma_start3A_31] : memref<84x120xi32, #tpu.memory_space<vmem>> -> memref<1x120xi32, #tpu.memory_space<vmem>>
        %dma_start3A_33 = tpu.memref_squeeze %dma_start3A_32 : memref<1x120xi32, #tpu.memory_space<vmem>> -> memref<120xi32, #tpu.memory_space<vmem>>
        %dma_start3A_34 = arith.constant 0 : i32
        %dma_start3A_35 = arith.constant 0 : i32
        %dma_start3A_36 = tpu.memref_slice %arg2[%dma_start3A_34, %dma_start3A_35] : memref<10000x128xf32, #tpu.memory_space<hbm>> -> memref<10000x128xf32, #tpu.memory_space<hbm>>
        tpu.enqueue_indirect_dma source(%dma_start3A_36 : memref<10000x128xf32, #tpu.memory_space<hbm>>) target(%arg9 : memref<120x128xf32, #tpu.memory_space<vmem>>) offsets(%dma_start3A_33 : memref<120xi32, #tpu.memory_space<vmem>>) semaphore(%arg11 : memref<!tpu.dma_semaphore, #tpu.memory_space<semaphore_mem>>)
      } else {
      }
    }
    %scan3A_13 = arith.constant 84 : i32
    %barrier3A_14 = arith.constant 0 : index
    tpu.barrier barrier_id(%barrier3A_14)
    %mul3A_15 = arith.constant 640 : i32
    %mul3A_16 = arith.muli %arg1, %mul3A_15 : i32
    %mul3A_17 = arith.constant 640 : i32
    %mul3A_18 = arith.muli %arg1, %mul3A_17 : i32
    "tpu.region"() ({
      %run_scoped3A = tpu.sem_alloc : memref<!tpu.dma_semaphore, #tpu.memory_space<semaphore_mem>>
      %dma_start3A_19 = arith.constant 0 : i32
      %dma_start3A_20 = arith.constant 0 : i32
      %dma_start3A_21 = tpu.memref_slice %arg6[%arg0, %dma_start3A_19, %dma_start3A_20] : memref<2x10240x128xf32, #tpu.memory_space<hbm>> -> memref<1x10240x128xf32, #tpu.memory_space<hbm>>
      %dma_start3A_22 = tpu.memref_squeeze %dma_start3A_21 : memref<1x10240x128xf32, #tpu.memory_space<hbm>> -> memref<10240x128xf32, #tpu.memory_space<hbm>>
      %dma_start3A_23 = arith.constant 0 : i32
      %dma_start3A_24 = tpu.memref_slice %dma_start3A_22[%mul3A_18, %dma_start3A_23] : memref<10240x128xf32, #tpu.memory_space<hbm>> -> memref<640x128xf32, #tpu.memory_space<hbm>>
      %dma_start3A_25 = arith.constant 0 : i32
      %dma_start3A_26 = tpu.memref_slice %arg10[%mul3A_16, %dma_start3A_25] : memref<10240x128xf32, #tpu.memory_space<vmem_shared>> -> memref<640x128xf32, #tpu.memory_space<vmem_shared>>
      tpu.enqueue_dma source(%dma_start3A_26 : memref<640x128xf32, #tpu.memory_space<vmem_shared>>) target(%dma_start3A_24 : memref<640x128xf32, #tpu.memory_space<hbm>>) target_semaphore(%run_scoped3A : memref<!tpu.dma_semaphore, #tpu.memory_space<semaphore_mem>>)
      %dma_wait3A = arith.constant 0 : i32
      %dma_wait3A_27 = arith.constant 0 : i32
      %dma_wait3A_28 = tpu.memref_slice %arg6[%arg0, %dma_wait3A, %dma_wait3A_27] : memref<2x10240x128xf32, #tpu.memory_space<hbm>> -> memref<1x10240x128xf32, #tpu.memory_space<hbm>>
      %dma_wait3A_29 = tpu.memref_squeeze %dma_wait3A_28 : memref<1x10240x128xf32, #tpu.memory_space<hbm>> -> memref<10240x128xf32, #tpu.memory_space<hbm>>
      %dma_wait3A_30 = arith.constant 0 : i32
      %dma_wait3A_31 = tpu.memref_slice %dma_wait3A_29[%mul3A_18, %dma_wait3A_30] : memref<10240x128xf32, #tpu.memory_space<hbm>> -> memref<640x128xf32, #tpu.memory_space<hbm>>
      %dma_wait3A_32 = arith.constant 0 : i32
      %dma_wait3A_33 = tpu.memref_slice %arg10[%mul3A_16, %dma_wait3A_32] : memref<10240x128xf32, #tpu.memory_space<vmem_shared>> -> memref<640x128xf32, #tpu.memory_space<vmem_shared>>
      tpu.wait_dma2 semaphore(%run_scoped3A : memref<!tpu.dma_semaphore, #tpu.memory_space<semaphore_mem>>) src(%dma_wait3A_33 : memref<640x128xf32, #tpu.memory_space<vmem_shared>>) dst(%dma_wait3A_31 : memref<640x128xf32, #tpu.memory_space<hbm>>)
      tpu.yield
    }) : () -> ()
    return
  }
}

#map = affine_map<(d0, d1) -> (0, 0)>
#map1 = affine_map<(d0, d1) -> (0, 0, 0)>
module attributes {stable_mosaic.version = 14 : i64} {
  func.func @msg_kernel(%arg0: i32, %arg1: i32, %arg2: memref<10000x128xf32, #tpu.memory_space<hbm>>, %arg3: memref<32x84x120xi32, #tpu.memory_space<hbm>>, %arg4: memref<32x84x120xi32, #tpu.memory_space<hbm>>, %arg5: memref<640x128xf32, #tpu.memory_space<hbm>>, %arg6: memref<2x10240x128xf32, #tpu.memory_space<hbm>>, %arg7: memref<84x120xi32, #tpu.memory_space<vmem>>, %arg8: memref<84x120xi32, #tpu.memory_space<vmem>>, %arg9: memref<120x128xf32, #tpu.memory_space<vmem>>, %arg10: memref<10240x128xf32, #tpu.memory_space<vmem_shared>>, %arg11: memref<!tpu.dma_semaphore, #tpu.memory_space<semaphore_mem>>) attributes {dimension_semantics = [#tpu.dimension_semantics<core_parallel>, #tpu.dimension_semantics<subcore_parallel>], iteration_bounds = array<i64: 2, 16>, scalar_prefetch = 0 : i64, scratch_operands = 5 : i64, tpu.core_type = #tpu.core_type<sc_vector_subcore>, window_params = [{transform_indices = #map}, {transform_indices = #map1}, {transform_indices = #map1}, {transform_indices = #map}, {transform_indices = #map1}]} {
    %mul3A = arith.constant 2 : i32
    %mul3A_0 = arith.muli %arg1, %mul3A : i32
    %add3A = arith.addi %mul3A_0, %arg0 : i32
    "tpu.region"() ({
      %run_scoped3A = tpu.sem_alloc : memref<!tpu.dma_semaphore, #tpu.memory_space<semaphore_mem>>
      %dma_start3A_19 = arith.constant 0 : i32
      %dma_start3A_20 = arith.constant 0 : i32
      %dma_start3A_21 = tpu.memref_slice %arg3[%add3A, %dma_start3A_19, %dma_start3A_20] : memref<32x84x120xi32, #tpu.memory_space<hbm>> -> memref<1x84x120xi32, #tpu.memory_space<hbm>>
      %dma_start3A_22 = tpu.memref_squeeze %dma_start3A_21 : memref<1x84x120xi32, #tpu.memory_space<hbm>> -> memref<84x120xi32, #tpu.memory_space<hbm>>
      %dma_start3A_23 = arith.constant 0 : i32
      %dma_start3A_24 = arith.constant 0 : i32
      %dma_start3A_25 = tpu.memref_slice %arg3[%add3A, %dma_start3A_23, %dma_start3A_24] : memref<32x84x120xi32, #tpu.memory_space<hbm>> -> memref<1x84x120xi32, #tpu.memory_space<hbm>>
      %dma_start3A_26 = tpu.memref_squeeze %dma_start3A_25 : memref<1x84x120xi32, #tpu.memory_space<hbm>> -> memref<84x120xi32, #tpu.memory_space<hbm>>
      tpu.enqueue_dma source(%dma_start3A_26 : memref<84x120xi32, #tpu.memory_space<hbm>>) target(%arg7 : memref<84x120xi32, #tpu.memory_space<vmem>>) target_semaphore(%run_scoped3A : memref<!tpu.dma_semaphore, #tpu.memory_space<semaphore_mem>>)
      %dma_wait3A = arith.constant 0 : i32
      %dma_wait3A_27 = arith.constant 0 : i32
      %dma_wait3A_28 = tpu.memref_slice %arg3[%add3A, %dma_wait3A, %dma_wait3A_27] : memref<32x84x120xi32, #tpu.memory_space<hbm>> -> memref<1x84x120xi32, #tpu.memory_space<hbm>>
      %dma_wait3A_29 = tpu.memref_squeeze %dma_wait3A_28 : memref<1x84x120xi32, #tpu.memory_space<hbm>> -> memref<84x120xi32, #tpu.memory_space<hbm>>
      %dma_wait3A_30 = arith.constant 0 : i32
      %dma_wait3A_31 = arith.constant 0 : i32
      %dma_wait3A_32 = tpu.memref_slice %arg3[%add3A, %dma_wait3A_30, %dma_wait3A_31] : memref<32x84x120xi32, #tpu.memory_space<hbm>> -> memref<1x84x120xi32, #tpu.memory_space<hbm>>
      %dma_wait3A_33 = tpu.memref_squeeze %dma_wait3A_32 : memref<1x84x120xi32, #tpu.memory_space<hbm>> -> memref<84x120xi32, #tpu.memory_space<hbm>>
      tpu.wait_dma2 semaphore(%run_scoped3A : memref<!tpu.dma_semaphore, #tpu.memory_space<semaphore_mem>>) src(%dma_wait3A_33 : memref<84x120xi32, #tpu.memory_space<hbm>>) dst(%arg7 : memref<84x120xi32, #tpu.memory_space<vmem>>)
      tpu.yield
    }) : () -> ()
    %dma_start3A = arith.constant 0 : i32
    %dma_start3A_1 = arith.constant 0 : i32
    %dma_start3A_2 = tpu.memref_slice %arg7[%dma_start3A, %dma_start3A_1] : memref<84x120xi32, #tpu.memory_space<vmem>> -> memref<1x120xi32, #tpu.memory_space<vmem>>
    %dma_start3A_3 = tpu.memref_squeeze %dma_start3A_2 : memref<1x120xi32, #tpu.memory_space<vmem>> -> memref<120xi32, #tpu.memory_space<vmem>>
    %dma_start3A_4 = arith.constant 0 : i32
    %dma_start3A_5 = arith.constant 0 : i32
    %dma_start3A_6 = tpu.memref_slice %arg2[%dma_start3A_4, %dma_start3A_5] : memref<10000x128xf32, #tpu.memory_space<hbm>> -> memref<10000x128xf32, #tpu.memory_space<hbm>>
    tpu.enqueue_indirect_dma source(%dma_start3A_6 : memref<10000x128xf32, #tpu.memory_space<hbm>>) target(%arg9 : memref<120x128xf32, #tpu.memory_space<vmem>>) offsets(%dma_start3A_3 : memref<120xi32, #tpu.memory_space<vmem>>) semaphore(%arg11 : memref<!tpu.dma_semaphore, #tpu.memory_space<semaphore_mem>>)
    "tpu.region"() ({
      %run_scoped3A = tpu.sem_alloc : memref<!tpu.dma_semaphore, #tpu.memory_space<semaphore_mem>>
      %dma_start3A_19 = arith.constant 0 : i32
      %dma_start3A_20 = arith.constant 0 : i32
      %dma_start3A_21 = tpu.memref_slice %arg4[%add3A, %dma_start3A_19, %dma_start3A_20] : memref<32x84x120xi32, #tpu.memory_space<hbm>> -> memref<1x84x120xi32, #tpu.memory_space<hbm>>
      %dma_start3A_22 = tpu.memref_squeeze %dma_start3A_21 : memref<1x84x120xi32, #tpu.memory_space<hbm>> -> memref<84x120xi32, #tpu.memory_space<hbm>>
      %dma_start3A_23 = arith.constant 0 : i32
      %dma_start3A_24 = arith.constant 0 : i32
      %dma_start3A_25 = tpu.memref_slice %arg4[%add3A, %dma_start3A_23, %dma_start3A_24] : memref<32x84x120xi32, #tpu.memory_space<hbm>> -> memref<1x84x120xi32, #tpu.memory_space<hbm>>
      %dma_start3A_26 = tpu.memref_squeeze %dma_start3A_25 : memref<1x84x120xi32, #tpu.memory_space<hbm>> -> memref<84x120xi32, #tpu.memory_space<hbm>>
      tpu.enqueue_dma source(%dma_start3A_26 : memref<84x120xi32, #tpu.memory_space<hbm>>) target(%arg8 : memref<84x120xi32, #tpu.memory_space<vmem>>) target_semaphore(%run_scoped3A : memref<!tpu.dma_semaphore, #tpu.memory_space<semaphore_mem>>)
      %dma_wait3A = arith.constant 0 : i32
      %dma_wait3A_27 = arith.constant 0 : i32
      %dma_wait3A_28 = tpu.memref_slice %arg4[%add3A, %dma_wait3A, %dma_wait3A_27] : memref<32x84x120xi32, #tpu.memory_space<hbm>> -> memref<1x84x120xi32, #tpu.memory_space<hbm>>
      %dma_wait3A_29 = tpu.memref_squeeze %dma_wait3A_28 : memref<1x84x120xi32, #tpu.memory_space<hbm>> -> memref<84x120xi32, #tpu.memory_space<hbm>>
      %dma_wait3A_30 = arith.constant 0 : i32
      %dma_wait3A_31 = arith.constant 0 : i32
      %dma_wait3A_32 = tpu.memref_slice %arg4[%add3A, %dma_wait3A_30, %dma_wait3A_31] : memref<32x84x120xi32, #tpu.memory_space<hbm>> -> memref<1x84x120xi32, #tpu.memory_space<hbm>>
      %dma_wait3A_33 = tpu.memref_squeeze %dma_wait3A_32 : memref<1x84x120xi32, #tpu.memory_space<hbm>> -> memref<84x120xi32, #tpu.memory_space<hbm>>
      tpu.wait_dma2 semaphore(%run_scoped3A : memref<!tpu.dma_semaphore, #tpu.memory_space<semaphore_mem>>) src(%dma_wait3A_33 : memref<84x120xi32, #tpu.memory_space<hbm>>) dst(%arg8 : memref<84x120xi32, #tpu.memory_space<vmem>>)
      tpu.yield
    }) : () -> ()
    %mul3A_7 = arith.constant 640 : i32
    %mul3A_8 = arith.muli %arg1, %mul3A_7 : i32
    "tpu.region"() ({
      %run_scoped3A = tpu.sem_alloc : memref<!tpu.dma_semaphore, #tpu.memory_space<semaphore_mem>>
      %dma_start3A_19 = arith.constant 0 : i32
      %dma_start3A_20 = tpu.memref_slice %arg10[%mul3A_8, %dma_start3A_19] : memref<10240x128xf32, #tpu.memory_space<vmem_shared>> -> memref<640x128xf32, #tpu.memory_space<vmem_shared>>
      tpu.enqueue_dma source(%arg5 : memref<640x128xf32, #tpu.memory_space<hbm>>) target(%dma_start3A_20 : memref<640x128xf32, #tpu.memory_space<vmem_shared>>) target_semaphore(%run_scoped3A : memref<!tpu.dma_semaphore, #tpu.memory_space<semaphore_mem>>)
      %dma_wait3A = arith.constant 0 : i32
      %dma_wait3A_21 = tpu.memref_slice %arg10[%mul3A_8, %dma_wait3A] : memref<10240x128xf32, #tpu.memory_space<vmem_shared>> -> memref<640x128xf32, #tpu.memory_space<vmem_shared>>
      tpu.wait_dma2 semaphore(%run_scoped3A : memref<!tpu.dma_semaphore, #tpu.memory_space<semaphore_mem>>) src(%arg5 : memref<640x128xf32, #tpu.memory_space<hbm>>) dst(%dma_wait3A_21 : memref<640x128xf32, #tpu.memory_space<vmem_shared>>)
      tpu.yield
    }) : () -> ()
    %barrier3A = arith.constant 0 : index
    tpu.barrier barrier_id(%barrier3A)
    %scan3A = arith.constant 0 : i32
    %scan3A_9 = arith.constant 0 : i32
    %scan3A_10 = arith.constant 84 : i32
    %scan3A_11 = arith.addi %scan3A_9, %scan3A_10 : i32
    %scan3A_12 = arith.constant 1 : i32
    scf.for %scan3A_19 = %scan3A_9 to %scan3A_11 step %scan3A_12  : i32 {
      %dma_wait3A = arith.constant 0 : i32
      %dma_wait3A_20 = tpu.memref_slice %arg7[%scan3A_19, %dma_wait3A] : memref<84x120xi32, #tpu.memory_space<vmem>> -> memref<1x120xi32, #tpu.memory_space<vmem>>
      %dma_wait3A_21 = tpu.memref_squeeze %dma_wait3A_20 : memref<1x120xi32, #tpu.memory_space<vmem>> -> memref<120xi32, #tpu.memory_space<vmem>>
      %dma_wait3A_22 = arith.constant 0 : i32
      %dma_wait3A_23 = arith.constant 0 : i32
      %dma_wait3A_24 = tpu.memref_slice %arg2[%dma_wait3A_22, %dma_wait3A_23] : memref<10000x128xf32, #tpu.memory_space<hbm>> -> memref<10000x128xf32, #tpu.memory_space<hbm>>
      tpu.wait_indirect_dma semaphore(%arg11 : memref<!tpu.dma_semaphore, #tpu.memory_space<semaphore_mem>>) src(%dma_wait3A_24 : memref<10000x128xf32, #tpu.memory_space<hbm>>) dst(%arg9 : memref<120x128xf32, #tpu.memory_space<vmem>>)
      "tpu.region"() ({
        %run_scoped3A = tpu.sem_alloc : memref<!tpu.dma_semaphore, #tpu.memory_space<semaphore_mem>>
        %dma_start3A_29 = arith.constant 0 : i32
        %dma_start3A_30 = tpu.memref_slice %arg8[%scan3A_19, %dma_start3A_29] : memref<84x120xi32, #tpu.memory_space<vmem>> -> memref<1x120xi32, #tpu.memory_space<vmem>>
        %dma_start3A_31 = tpu.memref_squeeze %dma_start3A_30 : memref<1x120xi32, #tpu.memory_space<vmem>> -> memref<120xi32, #tpu.memory_space<vmem>>
        %dma_start3A_32 = arith.constant 0 : i32
        %dma_start3A_33 = arith.constant 0 : i32
        %dma_start3A_34 = tpu.memref_slice %arg10[%dma_start3A_32, %dma_start3A_33] : memref<10240x128xf32, #tpu.memory_space<vmem_shared>> -> memref<10240x128xf32, #tpu.memory_space<vmem_shared>>
        tpu.enqueue_indirect_dma source(%arg9 : memref<120x128xf32, #tpu.memory_space<vmem>>) target(%dma_start3A_34 : memref<10240x128xf32, #tpu.memory_space<vmem_shared>>) offsets(%dma_start3A_31 : memref<120xi32, #tpu.memory_space<vmem>>) semaphore(%run_scoped3A : memref<!tpu.dma_semaphore, #tpu.memory_space<semaphore_mem>>) {add = true}
        %dma_wait3A_35 = arith.constant 0 : i32
        %dma_wait3A_36 = tpu.memref_slice %arg8[%scan3A_19, %dma_wait3A_35] : memref<84x120xi32, #tpu.memory_space<vmem>> -> memref<1x120xi32, #tpu.memory_space<vmem>>
        %dma_wait3A_37 = tpu.memref_squeeze %dma_wait3A_36 : memref<1x120xi32, #tpu.memory_space<vmem>> -> memref<120xi32, #tpu.memory_space<vmem>>
        %dma_wait3A_38 = arith.constant 0 : i32
        %dma_wait3A_39 = arith.constant 0 : i32
        %dma_wait3A_40 = tpu.memref_slice %arg10[%dma_wait3A_38, %dma_wait3A_39] : memref<10240x128xf32, #tpu.memory_space<vmem_shared>> -> memref<10240x128xf32, #tpu.memory_space<vmem_shared>>
        tpu.wait_indirect_dma semaphore(%run_scoped3A : memref<!tpu.dma_semaphore, #tpu.memory_space<semaphore_mem>>) src(%arg9 : memref<120x128xf32, #tpu.memory_space<vmem>>) dst(%dma_wait3A_40 : memref<10240x128xf32, #tpu.memory_space<vmem_shared>>)
        tpu.yield
      }) : () -> ()
      %add3A_25 = arith.constant 1 : i32
      %add3A_26 = arith.addi %scan3A_19, %add3A_25 : i32
      %lt3A = arith.constant 84 : i32
      %lt3A_27 = arith.cmpi slt, %add3A_26, %lt3A : i32
      %convert_element_type3A = arith.extui %lt3A_27 : i1 to i32
      %cond3A = arith.constant 0 : i32
      %cond3A_28 = arith.cmpi ne, %convert_element_type3A, %cond3A : i32
      scf.if %cond3A_28 {
        %add3A_29 = arith.constant 1 : i32
        %add3A_30 = arith.addi %scan3A_19, %add3A_29 : i32
        %dma_start3A_31 = arith.constant 0 : i32
        %dma_start3A_32 = tpu.memref_slice %arg7[%add3A_30, %dma_start3A_31] : memref<84x120xi32, #tpu.memory_space<vmem>> -> memref<1x120xi32, #tpu.memory_space<vmem>>
        %dma_start3A_33 = tpu.memref_squeeze %dma_start3A_32 : memref<1x120xi32, #tpu.memory_space<vmem>> -> memref<120xi32, #tpu.memory_space<vmem>>
        %dma_start3A_34 = arith.constant 0 : i32
        %dma_start3A_35 = arith.constant 0 : i32
        %dma_start3A_36 = tpu.memref_slice %arg2[%dma_start3A_34, %dma_start3A_35] : memref<10000x128xf32, #tpu.memory_space<hbm>> -> memref<10000x128xf32, #tpu.memory_space<hbm>>
        tpu.enqueue_indirect_dma source(%dma_start3A_36 : memref<10000x128xf32, #tpu.memory_space<hbm>>) target(%arg9 : memref<120x128xf32, #tpu.memory_space<vmem>>) offsets(%dma_start3A_33 : memref<120xi32, #tpu.memory_space<vmem>>) semaphore(%arg11 : memref<!tpu.dma_semaphore, #tpu.memory_space<semaphore_mem>>)
      } else {
      }
    }
    %scan3A_13 = arith.constant 84 : i32
    %barrier3A_14 = arith.constant 0 : index
    tpu.barrier barrier_id(%barrier3A_14)
    %mul3A_15 = arith.constant 640 : i32
    %mul3A_16 = arith.muli %arg1, %mul3A_15 : i32
    %mul3A_17 = arith.constant 640 : i32
    %mul3A_18 = arith.muli %arg1, %mul3A_17 : i32
    "tpu.region"() ({
      %run_scoped3A = tpu.sem_alloc : memref<!tpu.dma_semaphore, #tpu.memory_space<semaphore_mem>>
      %dma_start3A_19 = arith.constant 0 : i32
      %dma_start3A_20 = arith.constant 0 : i32
      %dma_start3A_21 = tpu.memref_slice %arg6[%arg0, %dma_start3A_19, %dma_start3A_20] : memref<2x10240x128xf32, #tpu.memory_space<hbm>> -> memref<1x10240x128xf32, #tpu.memory_space<hbm>>
      %dma_start3A_22 = tpu.memref_squeeze %dma_start3A_21 : memref<1x10240x128xf32, #tpu.memory_space<hbm>> -> memref<10240x128xf32, #tpu.memory_space<hbm>>
      %dma_start3A_23 = arith.constant 0 : i32
      %dma_start3A_24 = tpu.memref_slice %dma_start3A_22[%mul3A_18, %dma_start3A_23] : memref<10240x128xf32, #tpu.memory_space<hbm>> -> memref<640x128xf32, #tpu.memory_space<hbm>>
      %dma_start3A_25 = arith.constant 0 : i32
      %dma_start3A_26 = tpu.memref_slice %arg10[%mul3A_16, %dma_start3A_25] : memref<10240x128xf32, #tpu.memory_space<vmem_shared>> -> memref<640x128xf32, #tpu.memory_space<vmem_shared>>
      tpu.enqueue_dma source(%dma_start3A_26 : memref<640x128xf32, #tpu.memory_space<vmem_shared>>) target(%dma_start3A_24 : memref<640x128xf32, #tpu.memory_space<hbm>>) target_semaphore(%run_scoped3A : memref<!tpu.dma_semaphore, #tpu.memory_space<semaphore_mem>>)
      %dma_wait3A = arith.constant 0 : i32
      %dma_wait3A_27 = arith.constant 0 : i32
      %dma_wait3A_28 = tpu.memref_slice %arg6[%arg0, %dma_wait3A, %dma_wait3A_27] : memref<2x10240x128xf32, #tpu.memory_space<hbm>> -> memref<1x10240x128xf32, #tpu.memory_space<hbm>>
      %dma_wait3A_29 = tpu.memref_squeeze %dma_wait3A_28 : memref<1x10240x128xf32, #tpu.memory_space<hbm>> -> memref<10240x128xf32, #tpu.memory_space<hbm>>
      %dma_wait3A_30 = arith.constant 0 : i32
      %dma_wait3A_31 = tpu.memref_slice %dma_wait3A_29[%mul3A_18, %dma_wait3A_30] : memref<10240x128xf32, #tpu.memory_space<hbm>> -> memref<640x128xf32, #tpu.memory_space<hbm>>
      %dma_wait3A_32 = arith.constant 0 : i32
      %dma_wait3A_33 = tpu.memref_slice %arg10[%mul3A_16, %dma_wait3A_32] : memref<10240x128xf32, #tpu.memory_space<vmem_shared>> -> memref<640x128xf32, #tpu.memory_space<vmem_shared>>
      tpu.wait_dma2 semaphore(%run_scoped3A : memref<!tpu.dma_semaphore, #tpu.memory_space<semaphore_mem>>) src(%dma_wait3A_33 : memref<640x128xf32, #tpu.memory_space<vmem_shared>>) dst(%dma_wait3A_31 : memref<640x128xf32, #tpu.memory_space<hbm>>)
      tpu.yield
    }) : () -> ()
    return
  }
}

module attributes {stable_mosaic.version = 14 : i64} {
  func.func @body(%arg0: i32, %arg1: memref<2x1000x1xf32, #tpu.memory_space<vmem>>, %arg2: memref<1000x128xf32, #tpu.memory_space<vmem>>, %arg3: memref<128x128xf32, #tpu.memory_space<vmem>>, %arg4: memref<1000x128xf32, #tpu.memory_space<vmem>>) attributes {dimension_semantics = [#tpu.dimension_semantics<arbitrary>], iteration_bounds = array<i64: 10>, scalar_prefetch = 0 : i64, scratch_operands = 0 : i64, tpu.core_type = #tpu.core_type<tc>, window_params = [{transform_indices = @transform_0, window_bounds = array<i64: 2, 1000, 1>}, {transform_indices = @transform_1, window_bounds = array<i64: 1000, 128>}, {pipeline_mode = #tpu.pipeline_mode<synchronous>, transform_indices = @transform_2, window_bounds = array<i64: 128, 128>}, {transform_indices = @transform_3, window_bounds = array<i64: 1000, 128>}]} {
    %get3A = arith.constant 0 : index
    %get3A_0 = arith.constant 0 : index
    %get3A_1 = arith.constant 0 : index
    %get3A_2 = vector.load %arg1[%get3A, %get3A_0, %get3A_1] : memref<2x1000x1xf32, #tpu.memory_space<vmem>>, vector<2x1000x1xf32>
    %slice3A = vector.extract_strided_slice %get3A_2 {offsets = [0, 0, 0], sizes = [1, 1000, 1], strides = [1, 1, 1]} : vector<2x1000x1xf32> to vector<1x1000x1xf32>
    %squeeze3A = vector.shape_cast %slice3A : vector<1x1000x1xf32> to vector<1000x1xf32>
    %slice3A_3 = vector.extract_strided_slice %get3A_2 {offsets = [1, 0, 0], sizes = [1, 1000, 1], strides = [1, 1, 1]} : vector<2x1000x1xf32> to vector<1x1000x1xf32>
    %squeeze3A_4 = vector.shape_cast %slice3A_3 : vector<1x1000x1xf32> to vector<1000x1xf32>
    %add3A = arith.addf %squeeze3A, %squeeze3A_4 : vector<1000x1xf32>
    %add3A_5 = arith.constant 1.000000e+00 : f32
    %add3A_6 = vector.broadcast %add3A_5 : f32 to vector<1000x1xf32>
    %add3A_7 = arith.addf %add3A, %add3A_6 : vector<1000x1xf32>
    %rsqrt3A = math.rsqrt %add3A_7 : vector<1000x1xf32>
    %get3A_8 = arith.constant 0 : index
    %get3A_9 = arith.constant 0 : index
    %get3A_10 = vector.load %arg2[%get3A_8, %get3A_9] : memref<1000x128xf32, #tpu.memory_space<vmem>>, vector<1000x128xf32>
    %get3A_11 = arith.constant 0 : index
    %get3A_12 = arith.constant 0 : index
    %get3A_13 = vector.load %arg3[%get3A_11, %get3A_12] : memref<128x128xf32, #tpu.memory_space<vmem>>, vector<128x128xf32>
    %dot_general3A = arith.constant dense<0.000000e+00> : vector<1000x128xf32>
    %dot_general3A_14 = tpu.matmul %get3A_10, %get3A_13, %dot_general3A {dimension_numbers = #tpu.dot_dimension_numbers<[1], [0], [0], [1], [0, 0, 1, 1], [], []>, transpose_lhs_hint = false} : vector<1000x128xf32>, vector<128x128xf32>, vector<1000x128xf32> -> vector<1000x128xf32>
    %mul3A = vector.broadcast %rsqrt3A : vector<1000x1xf32> to vector<1000x128xf32>
    %mul3A_15 = arith.mulf %dot_general3A_14, %mul3A : vector<1000x128xf32>
    %swap3A = arith.constant 0 : index
    %swap3A_16 = arith.constant 0 : index
    %swap3A_17 = vector.load %arg4[%swap3A, %swap3A_16] : memref<1000x128xf32, #tpu.memory_space<vmem>>, vector<1000x128xf32>
    tpu.vector_store %arg4[%swap3A, %swap3A_16], %mul3A_15 {strides = array<i32>} : memref<1000x128xf32, #tpu.memory_space<vmem>>, vector<1000x128xf32>,
    return
  }
  func.func @transform_0(%arg0: i32) -> (i32, i32, i32) {
    %c0_i32 = arith.constant 0 : i32
    %c0_i32_0 = arith.constant 0 : i32
    %c0_i32_1 = arith.constant 0 : i32
    return %c0_i32, %arg0, %c0_i32_0 : i32, i32, i32
  }
  func.func @transform_1(%arg0: i32) -> (i32, i32) {
    %c0_i32 = arith.constant 0 : i32
    %c0_i32_0 = arith.constant 0 : i32
    return %arg0, %c0_i32 : i32, i32
  }
  func.func @transform_2(%arg0: i32) -> (i32, i32) {
    %c0_i32 = arith.constant 0 : i32
    %c0_i32_0 = arith.constant 0 : i32
    %c0_i32_1 = arith.constant 0 : i32
    return %c0_i32, %c0_i32_0 : i32, i32
  }
  func.func @transform_3(%arg0: i32) -> (i32, i32) {
    %c0_i32 = arith.constant 0 : i32
    %c0_i32_0 = arith.constant 0 : i32
    return %arg0, %c0_i32 : i32, i32
  }
}

module attributes {stable_mosaic.version = 14 : i64} {
  func.func @body(%arg0: i32, %arg1: memref<2x1000x1xf32, #tpu.memory_space<vmem>>, %arg2: memref<2x1000x128xf32, #tpu.memory_space<vmem>>, %arg3: memref<1000x128xf32, #tpu.memory_space<vmem>>, %arg4: memref<1x128xf32, #tpu.memory_space<vmem>>, %arg5: memref<128x128xf32, #tpu.memory_space<vmem>>, %arg6: memref<1000x128xf32, #tpu.memory_space<vmem>>) attributes {dimension_semantics = [#tpu.dimension_semantics<arbitrary>], iteration_bounds = array<i64: 10>, scalar_prefetch = 0 : i64, scratch_operands = 0 : i64, tpu.core_type = #tpu.core_type<tc>, window_params = [{transform_indices = @transform_0, window_bounds = array<i64: 2, 1000, 1>}, {transform_indices = @transform_1, window_bounds = array<i64: 2, 1000, 128>}, {transform_indices = @transform_2, window_bounds = array<i64: 1000, 128>}, {pipeline_mode = #tpu.pipeline_mode<synchronous>, transform_indices = @transform_3, window_bounds = array<i64: 1, 128>}, {pipeline_mode = #tpu.pipeline_mode<synchronous>, transform_indices = @transform_4, window_bounds = array<i64: 128, 128>}, {transform_indices = @transform_5, window_bounds = array<i64: 1000, 128>}]} {
    %get3A = arith.constant 0 : index
    %get3A_0 = arith.constant 0 : index
    %get3A_1 = arith.constant 0 : index
    %get3A_2 = vector.load %arg1[%get3A, %get3A_0, %get3A_1] : memref<2x1000x1xf32, #tpu.memory_space<vmem>>, vector<2x1000x1xf32>
    %slice3A = vector.extract_strided_slice %get3A_2 {offsets = [0, 0, 0], sizes = [1, 1000, 1], strides = [1, 1, 1]} : vector<2x1000x1xf32> to vector<1x1000x1xf32>
    %squeeze3A = vector.shape_cast %slice3A : vector<1x1000x1xf32> to vector<1000x1xf32>
    %slice3A_3 = vector.extract_strided_slice %get3A_2 {offsets = [1, 0, 0], sizes = [1, 1000, 1], strides = [1, 1, 1]} : vector<2x1000x1xf32> to vector<1x1000x1xf32>
    %squeeze3A_4 = vector.shape_cast %slice3A_3 : vector<1x1000x1xf32> to vector<1000x1xf32>
    %add3A = arith.addf %squeeze3A, %squeeze3A_4 : vector<1000x1xf32>
    %add3A_5 = arith.constant 1.000000e+00 : f32
    %add3A_6 = vector.broadcast %add3A_5 : f32 to vector<1000x1xf32>
    %add3A_7 = arith.addf %add3A, %add3A_6 : vector<1000x1xf32>
    %rsqrt3A = math.rsqrt %add3A_7 : vector<1000x1xf32>
    %get3A_8 = arith.constant 0 : index
    %get3A_9 = arith.constant 0 : index
    %get3A_10 = arith.constant 0 : index
    %get3A_11 = vector.load %arg2[%get3A_8, %get3A_9, %get3A_10] : memref<2x1000x128xf32, #tpu.memory_space<vmem>>, vector<2x1000x128xf32>
    %slice3A_12 = vector.extract_strided_slice %get3A_11 {offsets = [0, 0, 0], sizes = [1, 1000, 128], strides = [1, 1, 1]} : vector<2x1000x128xf32> to vector<1x1000x128xf32>
    %squeeze3A_13 = vector.shape_cast %slice3A_12 : vector<1x1000x128xf32> to vector<1000x128xf32>
    %slice3A_14 = vector.extract_strided_slice %get3A_11 {offsets = [1, 0, 0], sizes = [1, 1000, 128], strides = [1, 1, 1]} : vector<2x1000x128xf32> to vector<1x1000x128xf32>
    %squeeze3A_15 = vector.shape_cast %slice3A_14 : vector<1x1000x128xf32> to vector<1000x128xf32>
    %add3A_16 = arith.addf %squeeze3A_13, %squeeze3A_15 : vector<1000x128xf32>
    %get3A_17 = arith.constant 0 : index
    %get3A_18 = arith.constant 0 : index
    %get3A_19 = vector.load %arg3[%get3A_17, %get3A_18] : memref<1000x128xf32, #tpu.memory_space<vmem>>, vector<1000x128xf32>
    %add3A_20 = arith.addf %add3A_16, %get3A_19 : vector<1000x128xf32>
    %mul3A = vector.broadcast %rsqrt3A : vector<1000x1xf32> to vector<1000x128xf32>
    %mul3A_21 = arith.mulf %add3A_20, %mul3A : vector<1000x128xf32>
    %get3A_22 = arith.constant 0 : index
    %get3A_23 = arith.constant 0 : index
    %get3A_24 = vector.load %arg4[%get3A_22, %get3A_23] : memref<1x128xf32, #tpu.memory_space<vmem>>, vector<1x128xf32>
    %add3A_25 = vector.broadcast %get3A_24 : vector<1x128xf32> to vector<1000x128xf32>
    %add3A_26 = arith.addf %mul3A_21, %add3A_25 : vector<1000x128xf32>
    %max3A = arith.constant 0.000000e+00 : f32
    %max3A_27 = vector.broadcast %max3A : f32 to vector<1000x128xf32>
    %max3A_28 = arith.maximumf %add3A_26, %max3A_27 : vector<1000x128xf32>
    %get3A_29 = arith.constant 0 : index
    %get3A_30 = arith.constant 0 : index
    %get3A_31 = vector.load %arg5[%get3A_29, %get3A_30] : memref<128x128xf32, #tpu.memory_space<vmem>>, vector<128x128xf32>
    %dot_general3A = arith.constant dense<0.000000e+00> : vector<1000x128xf32>
    %dot_general3A_32 = tpu.matmul %max3A_28, %get3A_31, %dot_general3A {dimension_numbers = #tpu.dot_dimension_numbers<[1], [0], [0], [1], [0, 0, 1, 1], [], []>, transpose_lhs_hint = false} : vector<1000x128xf32>, vector<128x128xf32>, vector<1000x128xf32> -> vector<1000x128xf32>
    %mul3A_33 = vector.broadcast %rsqrt3A : vector<1000x1xf32> to vector<1000x128xf32>
    %mul3A_34 = arith.mulf %dot_general3A_32, %mul3A_33 : vector<1000x128xf32>
    %swap3A = arith.constant 0 : index
    %swap3A_35 = arith.constant 0 : index
    %swap3A_36 = vector.load %arg6[%swap3A, %swap3A_35] : memref<1000x128xf32, #tpu.memory_space<vmem>>, vector<1000x128xf32>
    tpu.vector_store %arg6[%swap3A, %swap3A_35], %mul3A_34 {strides = array<i32>} : memref<1000x128xf32, #tpu.memory_space<vmem>>, vector<1000x128xf32>,
    return
  }
  func.func @transform_0(%arg0: i32) -> (i32, i32, i32) {
    %c0_i32 = arith.constant 0 : i32
    %c0_i32_0 = arith.constant 0 : i32
    %c0_i32_1 = arith.constant 0 : i32
    return %c0_i32, %arg0, %c0_i32_0 : i32, i32, i32
  }
  func.func @transform_1(%arg0: i32) -> (i32, i32, i32) {
    %c0_i32 = arith.constant 0 : i32
    %c0_i32_0 = arith.constant 0 : i32
    %c0_i32_1 = arith.constant 0 : i32
    return %c0_i32, %arg0, %c0_i32_0 : i32, i32, i32
  }
  func.func @transform_2(%arg0: i32) -> (i32, i32) {
    %c0_i32 = arith.constant 0 : i32
    %c0_i32_0 = arith.constant 0 : i32
    return %arg0, %c0_i32 : i32, i32
  }
  func.func @transform_3(%arg0: i32) -> (i32, i32) {
    %c0_i32 = arith.constant 0 : i32
    %c0_i32_0 = arith.constant 0 : i32
    %c0_i32_1 = arith.constant 0 : i32
    return %c0_i32, %c0_i32_0 : i32, i32
  }
  func.func @transform_4(%arg0: i32) -> (i32, i32) {
    %c0_i32 = arith.constant 0 : i32
    %c0_i32_0 = arith.constant 0 : i32
    %c0_i32_1 = arith.constant 0 : i32
    return %c0_i32, %c0_i32_0 : i32, i32
  }
  func.func @transform_5(%arg0: i32) -> (i32, i32) {
    %c0_i32 = arith.constant 0 : i32
    %c0_i32_0 = arith.constant 0 : i32
    return %arg0, %c0_i32 : i32, i32
  }
}

module attributes {stable_mosaic.version = 14 : i64} {
  func.func @body(%arg0: i32, %arg1: memref<2x1000x1xf32, #tpu.memory_space<vmem>>, %arg2: memref<2x1000x128xf32, #tpu.memory_space<vmem>>, %arg3: memref<1000x128xf32, #tpu.memory_space<vmem>>, %arg4: memref<1x128xf32, #tpu.memory_space<vmem>>, %arg5: memref<1000x128xf32, #tpu.memory_space<vmem>>) attributes {dimension_semantics = [#tpu.dimension_semantics<arbitrary>], iteration_bounds = array<i64: 10>, scalar_prefetch = 0 : i64, scratch_operands = 0 : i64, tpu.core_type = #tpu.core_type<tc>, window_params = [{transform_indices = @transform_0, window_bounds = array<i64: 2, 1000, 1>}, {transform_indices = @transform_1, window_bounds = array<i64: 2, 1000, 128>}, {transform_indices = @transform_2, window_bounds = array<i64: 1000, 128>}, {pipeline_mode = #tpu.pipeline_mode<synchronous>, transform_indices = @transform_3, window_bounds = array<i64: 1, 128>}, {transform_indices = @transform_4, window_bounds = array<i64: 1000, 128>}]} {
    %get3A = arith.constant 0 : index
    %get3A_0 = arith.constant 0 : index
    %get3A_1 = arith.constant 0 : index
    %get3A_2 = vector.load %arg1[%get3A, %get3A_0, %get3A_1] : memref<2x1000x1xf32, #tpu.memory_space<vmem>>, vector<2x1000x1xf32>
    %slice3A = vector.extract_strided_slice %get3A_2 {offsets = [0, 0, 0], sizes = [1, 1000, 1], strides = [1, 1, 1]} : vector<2x1000x1xf32> to vector<1x1000x1xf32>
    %squeeze3A = vector.shape_cast %slice3A : vector<1x1000x1xf32> to vector<1000x1xf32>
    %slice3A_3 = vector.extract_strided_slice %get3A_2 {offsets = [1, 0, 0], sizes = [1, 1000, 1], strides = [1, 1, 1]} : vector<2x1000x1xf32> to vector<1x1000x1xf32>
    %squeeze3A_4 = vector.shape_cast %slice3A_3 : vector<1x1000x1xf32> to vector<1000x1xf32>
    %add3A = arith.addf %squeeze3A, %squeeze3A_4 : vector<1000x1xf32>
    %add3A_5 = arith.constant 1.000000e+00 : f32
    %add3A_6 = vector.broadcast %add3A_5 : f32 to vector<1000x1xf32>
    %add3A_7 = arith.addf %add3A, %add3A_6 : vector<1000x1xf32>
    %rsqrt3A = math.rsqrt %add3A_7 : vector<1000x1xf32>
    %get3A_8 = arith.constant 0 : index
    %get3A_9 = arith.constant 0 : index
    %get3A_10 = arith.constant 0 : index
    %get3A_11 = vector.load %arg2[%get3A_8, %get3A_9, %get3A_10] : memref<2x1000x128xf32, #tpu.memory_space<vmem>>, vector<2x1000x128xf32>
    %slice3A_12 = vector.extract_strided_slice %get3A_11 {offsets = [0, 0, 0], sizes = [1, 1000, 128], strides = [1, 1, 1]} : vector<2x1000x128xf32> to vector<1x1000x128xf32>
    %squeeze3A_13 = vector.shape_cast %slice3A_12 : vector<1x1000x128xf32> to vector<1000x128xf32>
    %slice3A_14 = vector.extract_strided_slice %get3A_11 {offsets = [1, 0, 0], sizes = [1, 1000, 128], strides = [1, 1, 1]} : vector<2x1000x128xf32> to vector<1x1000x128xf32>
    %squeeze3A_15 = vector.shape_cast %slice3A_14 : vector<1x1000x128xf32> to vector<1000x128xf32>
    %add3A_16 = arith.addf %squeeze3A_13, %squeeze3A_15 : vector<1000x128xf32>
    %get3A_17 = arith.constant 0 : index
    %get3A_18 = arith.constant 0 : index
    %get3A_19 = vector.load %arg3[%get3A_17, %get3A_18] : memref<1000x128xf32, #tpu.memory_space<vmem>>, vector<1000x128xf32>
    %add3A_20 = arith.addf %add3A_16, %get3A_19 : vector<1000x128xf32>
    %mul3A = vector.broadcast %rsqrt3A : vector<1000x1xf32> to vector<1000x128xf32>
    %mul3A_21 = arith.mulf %add3A_20, %mul3A : vector<1000x128xf32>
    %get3A_22 = arith.constant 0 : index
    %get3A_23 = arith.constant 0 : index
    %get3A_24 = vector.load %arg4[%get3A_22, %get3A_23] : memref<1x128xf32, #tpu.memory_space<vmem>>, vector<1x128xf32>
    %add3A_25 = vector.broadcast %get3A_24 : vector<1x128xf32> to vector<1000x128xf32>
    %add3A_26 = arith.addf %mul3A_21, %add3A_25 : vector<1000x128xf32>
    %max3A = arith.constant 0.000000e+00 : f32
    %max3A_27 = vector.broadcast %max3A : f32 to vector<1000x128xf32>
    %max3A_28 = arith.maximumf %add3A_26, %max3A_27 : vector<1000x128xf32>
    %swap3A = arith.constant 0 : index
    %swap3A_29 = arith.constant 0 : index
    %swap3A_30 = vector.load %arg5[%swap3A, %swap3A_29] : memref<1000x128xf32, #tpu.memory_space<vmem>>, vector<1000x128xf32>
    tpu.vector_store %arg5[%swap3A, %swap3A_29], %max3A_28 {strides = array<i32>} : memref<1000x128xf32, #tpu.memory_space<vmem>>, vector<1000x128xf32>,
    return
  }
  func.func @transform_0(%arg0: i32) -> (i32, i32, i32) {
    %c0_i32 = arith.constant 0 : i32
    %c0_i32_0 = arith.constant 0 : i32
    %c0_i32_1 = arith.constant 0 : i32
    return %c0_i32, %arg0, %c0_i32_0 : i32, i32, i32
  }
  func.func @transform_1(%arg0: i32) -> (i32, i32, i32) {
    %c0_i32 = arith.constant 0 : i32
    %c0_i32_0 = arith.constant 0 : i32
    %c0_i32_1 = arith.constant 0 : i32
    return %c0_i32, %arg0, %c0_i32_0 : i32, i32, i32
  }
  func.func @transform_2(%arg0: i32) -> (i32, i32) {
    %c0_i32 = arith.constant 0 : i32
    %c0_i32_0 = arith.constant 0 : i32
    return %arg0, %c0_i32 : i32, i32
  }
  func.func @transform_3(%arg0: i32) -> (i32, i32) {
    %c0_i32 = arith.constant 0 : i32
    %c0_i32_0 = arith.constant 0 : i32
    %c0_i32_1 = arith.constant 0 : i32
    return %c0_i32, %c0_i32_0 : i32, i32
  }
  func.func @transform_4(%arg0: i32) -> (i32, i32) {
    %c0_i32 = arith.constant 0 : i32
    %c0_i32_0 = arith.constant 0 : i32
    return %arg0, %c0_i32 : i32, i32
  }
}

</mosaic_0001>

<sc_bundles>
// kernel: kernel.10.cloned.1.call-start
scs
__scs_entry_jumppad:
0x0: {  	(pc) =	sbr.rel $0x88, $3  }
0x1: {  	(tag) =	ssettag $0x0;
	lr =	simm.s32 $0x1  }
0x2: {  	[smem:$0x3F99] =	sst lr;
	_ =	strace $0xD0000000  }
0x3: {  	_ = 	snop  }
0x4: {  	_ = 	snop  }
0x5: {  	_ = 	snop  }
0x6: {  	_ = 	snop  }
0x7: {  	_ = 	snop  }
__scs_overlays_trampoline_lowered:
0x8: {  	[smem:$0x3FA8] =	sst s0  }
0x9: {  	[smem:$0x3FA9] =	sst s1  }
0xa: {  	[smem:$0x3FAA] =	sst s2  }
0xb: {  	[smem:$0x3FAB] =	sst s3  }
0xc: {  	[smem:$0x3FAC] =	sst s4  }
0xd: {  	[smem:$0x3FAD] =	sst s5  }
0xe: {  	[smem:$0x3FAE] =	sst s6  }
0xf: {  	[smem:$0x3FAF] =	sst s7  }
0x10: {  	[smem:$0x3FB0] =	sst s8  }
0x11: {  	[smem:$0x3FB1] =	sst s9;
	s0 =	simm.s32 @!p0 $0x0  }
0x12: {  	s1 =	sld [smem:$0x3F97];
	s0 =	simm.s32 @p0 $0x1  }
0x13: {  	[smem:$0x3FB2] =	sst s0;
	s0 =	simm.s32 @!p1 $0x0  }
0x14: {  	s2 =	sld [smem:$0x3F96];
	s0 =	simm.s32 @p1 $0x1  }
0x15: {  	[smem:$0x3FB3] =	sst s0;
	s0 =	simm.s32 @!p2 $0x0  }
0x16: {  	s3 =	sld [smem:$0x3FDB];
	s0 =	simm.s32 @p2 $0x1  }
0x17: {  	s4 =	simm.s32 $0x1BF5;
	[smem:$0x3FB5] =	sst s0  }
0x18: {  	s0 =	sld [smem:$0x3F98];
	_ =	swait.ge [sflag:s4], $0x0  }
0x19: {  	s7 =	sld [smem:$0x3F99]  }
0x1a: {  	s8 =	sadd.s32 $0xFFFFE003, lr  }
0x1b: {  	s9 =	sadd.s32 $0xFFFFFEF7, lr;
	s5 =	simm.s32 $0xFFFFFFFF;
	p2 =	slt.u32 s8, $0xFFFFF086  }
0x1c: {  	p1 =	slt.u32 s9, $0xF7A;
	s5 =	simm.s32 @!p2 $0x0  }
0x1d: {  	s5 =	simm.s32 @p1 $0x1;
	p0 =	seq.s32 s7, s2  }
0x1e: {  	s7 =	smul.u32 @!p0 $0xF7A, s2;
	p2 =	seq.s32 @!p0 s5, $0x0  }
0x1f: {  	s9 =	smul.u32 $0xF7A, s1;
	s8 =	simm.s32 @!p0 $0x1BF5;
	p2 =	por !p2, p0  }
0x20: {  	[sflag:s8] =	ssyncset.s32 @!p0 $0xFFFFF086;
	s6 =	sadd.s32 @!p0 s3, s7;
	s7 =	simm.s32 @!p0 $0x108  }
0x21: {  	s3 =	sadd.s32 s3, s9;
	s6 =	sadd.s32 @!p0 $0x88, s6;
	s7 =	simm.s32 @p2 $0x1082  }
0x22: {  	[simem:s7], [sflag:s8] =	dma.local @!p0 [hbm:s6], $0xF7A  }
0x23: {  	s9 =	sor.u32 $0xD0000000, s2;
	s6 =	simm.s32 $0x108;
	_ =	swait.ge @!p0 [sflag:s8], $0x0  }
0x24: {  	s3 =	sadd.s32 $0x88, s3;
	s6 =	simm.s32 @!p1 $0x1082;
	[sflag:s4] =	ssyncset.s32 $0xFFFFF086  }
0x25: {  	[simem:s6], [sflag:s4] =	dma.local [hbm:s3], $0xF7A  }
0x26: {  	[smem:$0x3F99] =	sst s1;
	(tag) =	ssettag s2;
	_ =	strace s9  }
0x27: {  	s1 =	sld [smem:$0x3FA9]  }
0x28: {  	s2 =	sld [smem:$0x3FAA]  }
0x29: {  	s4 =	sld [smem:$0x3FAC]  }
0x2a: {  	p0 =	seq.s32 s5, $0x0;
	s5 =	sld [smem:$0x3FAD]  }
0x2b: {  	s6 =	sld [smem:$0x3FAE]  }
0x2c: {  	s7 =	sld [smem:$0x3FAF]  }
0x2d: {  	s3 =	simm.s32 $0x108;
	s8 =	sld [smem:$0x3FB0]  }
0x2e: {  	s3 =	simm.s32 @!p0 $0x1082;
	s9 =	sld [smem:$0x3FB1]  }
0x2f: {  	lr =	sadd.s32 s0, s3;
	s0 =	sld [smem:$0x3FA8]  }
0x30: {  	s3 =	sld [smem:$0x3FAB]  }
0x31: {  	[smem:$0x3FB4] =	sst s10  }
0x32: {  	s10 =	sld [smem:$0x3FB2];
	_ =	sdelay $0x3  }
0x33: {  	p0 =	seq.s32 s10, $0x1;
	s10 =	sld [smem:$0x3FB4];
	_ =	sdelay $0x3  }
0x34: {  	[smem:$0x3FB4] =	sst s10  }
0x35: {  	s10 =	sld [smem:$0x3FB3];
	_ =	sdelay $0x3  }
0x36: {  	p1 =	seq.s32 s10, $0x1;
	s10 =	sld [smem:$0x3FB4];
	_ =	sdelay $0x3  }
0x37: {  	[smem:$0x3FB4] =	sst s10  }
0x38: {  	s10 =	sld [smem:$0x3FB5]  }
0x39: {  	_ = 	snop;
	(pc) =	sbr.ind lr, $3  }
0x3a: {  	_ = 	snop  }
0x3b: {  	_ = 	snop  }
0x3c: {  	p2 =	seq.s32 s10, $0x1;
	s10 =	sld [smem:$0x3FB4]  }
0x3d: {  	_ =	shalt  }
0x3e: {  	_ =	shalt  }
0x3f: {  	_ =	shalt  }
0x40: {  	_ =	shalt  }
0x41: {  	_ =	shalt  }
0x42: {  	_ =	shalt  }
0x43: {  	_ =	shalt  }
0x44: {  	_ =	shalt  }
0x45: {  	_ =	shalt  }
0x46: {  	_ =	shalt  }
0x47: {  	_ =	shalt  }
0x48: {  	_ =	shalt  }
0x49: {  	_ =	shalt  }
0x4a: {  	_ =	shalt  }
0x4b: {  	_ =	shalt  }
0x4c: {  	_ =	shalt  }
0x4d: {  	_ =	shalt  }
0x4e: {  	_ =	shalt  }
0x4f: {  	_ =	shalt  }
0x50: {  	_ =	shalt  }
0x51: {  	_ =	shalt  }
0x52: {  	_ =	shalt  }
0x53: {  	_ =	shalt  }
0x54: {  	_ =	shalt  }
0x55: {  	_ =	shalt  }
0x56: {  	_ =	shalt  }
0x57: {  	_ =	shalt  }
0x58: {  	_ =	shalt  }
0x59: {  	_ =	shalt  }
0x5a: {  	_ =	shalt  }
0x5b: {  	_ =	shalt  }
0x5c: {  	_ =	shalt  }
0x5d: {  	_ =	shalt  }
0x5e: {  	_ =	shalt  }
0x5f: {  	_ =	shalt  }
0x60: {  	_ =	shalt  }
0x61: {  	_ =	shalt  }
0x62: {  	_ =	shalt  }
0x63: {  	_ =	shalt  }
0x64: {  	_ =	shalt  }
0x65: {  	_ =	shalt  }
0x66: {  	_ =	shalt  }
0x67: {  	_ =	shalt  }
0x68: {  	_ =	shalt  }
0x69: {  	_ =	shalt  }
0x6a: {  	_ =	shalt  }
0x6b: {  	_ =	shalt  }
0x6c: {  	_ =	shalt  }
0x6d: {  	_ =	shalt  }
0x6e: {  	_ =	shalt  }
0x6f: {  	_ =	shalt  }
0x70: {  	_ =	shalt  }
0x71: {  	_ =	shalt  }
0x72: {  	_ =	shalt  }
0x73: {  	_ =	shalt  }
0x74: {  	_ =	shalt  }
0x75: {  	_ =	shalt  }
0x76: {  	_ =	shalt  }
0x77: {  	_ =	shalt  }
0x78: {  	_ =	shalt  }
0x79: {  	_ =	shalt  }
0x7a: {  	_ =	shalt  }
0x7b: {  	_ =	shalt  }
0x7c: {  	_ =	shalt  }
0x7d: {  	_ =	shalt  }
0x7e: {  	_ =	shalt  }
0x7f: {  	_ =	shalt  }
0x80: {  	_ =	shalt  }
0x81: {  	_ =	shalt  }
0x82: {  	_ =	shalt  }
0x83: {  	_ =	shalt  }
0x84: {  	_ =	shalt  }
0x85: {  	_ =	shalt  }
0x86: {  	_ =	shalt  }
0x87: {  	_ =	shalt  }
.Lfunc_end0:
.L_simem_size_0:
called_computation_lowered:
.L_overlay_start_0:
0x88: {  	s2 =	sld [smem:$0x3FD9]  }
0x89: {  	s3 =	sld [smem:$0x3FFE];
	_ =	sdelay $0x1  }
0x8a: {  	s1 =	srdreg.scid  }
0x8b: {  	s0 =	sand.u32 $0x1, s1  }
0x8c: {  	s17 =	sshll.u32 s0, $0xA;
	s2 =	sadd.s32 s3, s2  }
0x8d: {  	s2 =	sadd.s32 s2, s17  }
0x8e: {  	[smem:$0x3FC0] =	sst s2  }
0x8f: {  	_ = 	snop  }
0x90: {  	s2 =	sld [smem:$0x3FD0];
	(tm) =	ssettm $0x1  }
0x91: {  	s18 =	sld [smem:$0x3FFB];
	_ =	sdelay $0x3  }
0x92: {  	_ =	strace s18  }
0x93: {  	s3 =	sld [smem:$0x3FFC];
	_ =	sdelay $0x3  }
0x94: {  	_ =	strace s3  }
0x95: {  	s3 =	sld [smem:$0x3FFD];
	_ =	sdelay $0x3  }
0x96: {  	_ =	strace s3  }
0x97: {  	_ =	strace $0x8FFFFFFF  }
0x98: {  	s19 =	sld [smem:$0x3FDB];
	_ =	sdelay $0x1  }
0x99: {  	s4 =	simm.s32 $_scs_section_size  }
0x9a: {  	s5 =	simm.s32 $_size__tile_overlayer_lowered;
	s6 =	simm.s32 $_tile_overlayer_lowered  }
0x9b: {  	s22 =	simm.s32 $0x1BFF;
	s21 =	sshll.u32 s6, $0x1;
	s3 =	sadd.s32 s4, s19  }
0x9c: {  	s7 =	simm.s32 $0x0;
	s20 =	sshll.u32 s5, $0x1;
	s5 =	sadd.s32 s21, s3  }
0x9d: {  	[timem:s7], [sflag:s22] =	dma.local [hbm:s5], s20  }
0x9e: {  	_ =	swait.ge [sflag:s22], s20  }
0x9f: {  	s4 =	ssub.s32 $0x0, s20;
	[sflag:s22] =	ssyncset.done $0x0  }
0xa0: {  	[sflag:s22] =	ssyncadd.s32 s4;
	_ =	sdelay $0x1  }
0xa1: {  	s23 =	simm.s32 $0x1B8B  }
0xa2: {  	_ =	swait.ge [sflag:s23], $0x1  }
0xa3: {  	[sflag:s23] =	ssyncset.done $0x0  }
0xa4: {  	s25 =	simm.s32 $0x1B8E;
	s24 =	sld [smem:$0x3FFE];
	[sflag:s23] =	ssyncadd.s32 $0xFFFFFFFF  }
0xa5: {  	s26 =	simm.s32 $execute0_lowered;
	[smem:$0x3FD2] =	sst s25  }
0xa6: {  	s5 =	sshll.u32 s26, $0x1;
	_ =	strace $0x80000046;
	[dreg:$0x1] =	wrdreg $0xFFFFFFFF  }
0xa7: {  	s28 =	simm.s32 $_size_execute0_lowered;
	s3 =	sadd.s32 s3, s5;
	[dreg:$0x0] =	wrdreg $0x0  }
0xa8: {  	s5 =	sshll.u32 s28, $0x1;
	[dreg:$0x2] =	wrdreg s3  }
0xa9: {  	[dreg:$0x3] =	wrdreg s5  }
0xaa: {  	[dreg:$0x4] =	wrdreg $0xC0  }
0xab: {  	_ =	task [dreg:s7], $0x5FFFF  }
0xac: {  	[dreg:$0x1] =	wrdreg $0xFFFFFFFF  }
0xad: {  	[dreg:$0x0] =	wrdreg $0x60  }
0xae: {  	[dreg:$0x2] =	wrdreg s24  }
0xaf: {  	[dreg:$0x3] =	wrdreg s2  }
0xb0: {  	[dreg:$0x4] =	wrdreg $0x2C800  }
0xb1: {  	[dreg:$0x5] =	wrdreg $0x9  }
0xb2: {  	_ =	task.clear_ibuf [dreg:s7], $0x6FFFF;
	_ =	strace $0x90000046  }
0xb3: {  	s29 =	simm.s32 $0x9;
	_ =	strace $0x80000048  }
0xb4: {  	_ =	swait.ge [sflag:s29], $0x1  }
0xb5: {  	[sflag:s29] =	ssyncadd.s32 $0xFFFFFFFF  }
0xb6: {  	_ =	strace $0x90000048  }
0xb7: {  	_ =	sfence  }
0xb8: {  	s30 =	sld [smem:$0x0];
	_ =	sdelay $0x2  }
0xb9: {  	s31 =	sshll.u32 s1, $0xD;
	s1 =	sshrl.u32 s1, $0x2  }
0xba: {  	s3 =	sand.u32 $0x4000, s31;
	s1 =	sadd.s32 s1, s30  }
0xbb: {  	s0 =	sor.u32 s3, s0;
	s1 =	sshll.u32 s1, $0x11  }
0xbc: {  	s0 =	sor.u32 s1, s0  }
0xbd: {  	s0 =	sadd.s32 $0x8F2B, s0  }
0xbe: {  	[sflag:s0] =	ssyncadd.remote.s32 $0x1  }
0xbf: {  	_ =	sfence.sel $0xFFFF  }
0xc0: {  	[dreg:$0x0] =	wrdreg $0xFFFFFFFF;
	(pc) =	sbr.abs _section_cstart, $3  }
0xc1: {  	[dreg:$0x1] =	wrdreg $0xFFFFFFFF  }
0xc2: {  	_ =	task.clear_ibuf [dreg:s7], $0x2FFFF;
	_ =	strace $0x9FFFFFFF  }
0xc3: {  	(tm) =	ssettm $0x7FFFFFFF  }
tec
execute0_lowered:
.L_overlay_start_1:
0x0: {  	(tag) =	ssettag $0x1  }
0x1: {  	s5 =	rddreg [dreg:$0x0]  }
0x2: {  	s7 =	rddreg [dreg:$0x1]  }
0x3: {  	s1 =	srdreg.scid;
	s0 =	stileid.u32  }
0x4: {  	s2 =	rddreg [dreg:$0x2];
	s3 =	simm.s32 $0x0;
	s15 =	simm.s32 $0x10  }
0x5: {  	s16 =	simm.s32 $0x0;
	s6 =	sand.u32 $0x1, s1;
	s1 =	rddreg [dreg:$0x3]  }
0x6: {  	s4 =	sshll.u32 s0, $0x1;
	[smem:$0x7FF] =	sst s3;
	s10 =	smul.u32 $0xA00, s0  }
0x7: {  	s14 =	smul.u32 $0xA0, s0;
	s31 =	sshll.u32 s0, $0x6;
	s4 =	sor.u32 s6, s4  }
0x8: {  	_ =	strace $0x80000047;
	s9 =	ssub.s32 $0x2, s6;
	s30 =	sshll.u32 s6, $0x4  }
0x9: {  	s4 =	smul.u32 $0x580, s4;
	s11 =	sshrl.u32 s9, $0x1;
	s10 =	sshrl.u32 s10, $0x2  }
0xa: {  	s13 =	sadd.s32 s7, s30;
	s9 =	ssub.s32 s9, s11;
	s12 =	sadd.s32 s10, s2  }
0xb: {  	s10 =	sor.u32 $0x1C01, s31;
	s13 =	sadd.s32 s14, s13;
	s14 =	simm.s32 $0x20  }
0xc: {  	s8 =	sadd.s32 s4, s5;
	s4 =	sadd.s32 $0xDE00, s5;
	s5 =	sadd.s32 $0xE000, s5  }
0xd: {  	s7 =	smax.u32 s9, $0x1;
	s9 =	simm.s32 $0x2C00;
	s11 =	sshrl.u32 s12, $0x3  }
0xe: {  	s12 =	simm.s32 $0x78;
	s6 =	sadd.s32 $0x2E00, s8;
	s8 =	simm.s32 $0x1  }
.LBB2_1:
0xf: {  	[tilespmem:s3], [sflag:$0x1] =	stream.linear.gather [hbm4b:s6+s3], $0x2A00, $0x38;
	[tilespmem:$0x2F00] =	vst v63  }
0x10: {  	_ =	swait.ge [sflag:s8], $0x2A00  }
0x11: {  	[sflag:s8] =	ssyncset.done $0x0  }
0x12: {  	[sflag:s8] =	ssyncadd.s32 $0xFFFFD600  }
0x13: {  	[tilespmem:s9], [sflag:$0x1] =	stream.linear.gather [hbm4b:s4+s3], $0x80, $0x38;
	[tilespmem:$0x2F00] =	vst v63  }
0x14: {  	_ =	swait.ge [sflag:s8], $0x80  }
0x15: {  	[sflag:s8] =	ssyncset.done $0x0  }
0x16: {  	[sflag:s8] =	ssyncadd.s32 $0xFFFFFF80  }
0x17: {  	[spmem:s11], [sflag:s10] =	dma.local [hbm:s5], $0x50  }
0x18: {  	_ =	swait.ge [sflag:s8], $0x50  }
0x19: {  	[sflag:s8] =	ssyncset.done $0x0  }
0x1a: {  	[sflag:s8] =	ssyncadd.s32 $0xFFFFFFB0  }
0x1b: {  	s17 =	simm.s32 $0x0;
	[bflag:$0x0] =	sbarrier.arrive $0xFFFF  }
0x1c: {  	[spmem:s2] =	stream.indirect.scatter.add.f32 [tilespmem:s9], [sflag:$0x1], $0x1, s17, s12, $0xb8;
	[tilespmem:$0x2F00] =	vst v63  }
0x1d: {  	_ =	swait.ge [sflag:s8], $0x78  }
0x1e: {  	s17 =	simm.s32 $0x200;
	[sflag:s8] =	ssyncset.done $0x0  }
.LBB2_2:
0x1f: {  	s18 =	sshra.s32 s17, $0x2;
	[sflag:s8] =	ssyncadd.s32 $0xFFFFFF88;
	p0 =	sne.s32 s17, $0xA600  }
0x20: {  	[spmem:s2] =	stream.indirect.scatter.add.f32 [tilespmem:s9], [sflag:$0x1], $0x1, s18, s12, $0xb8;
	[tilespmem:$0x2F00] =	vst v63  }
.Ltmp0:
0x21: {  	_ = 	snop;
	(pc) =	sbr.rel @p0 .LBB2_2-.Ltmp0, $4  }
0x22: {  	_ = 	snop  }
0x23: {  	s17 =	sadd.s32 $0x200, s17  }
0x24: {  	_ =	swait.ge [sflag:s8], $0x78  }
0x25: {  	[sflag:s8] =	ssyncset.done $0x0  }
0x26: {  	s16 =	sadd.s32 $0x1, s16  }
0x27: {  	[sflag:s8] =	ssyncadd.s32 $0xFFFFFF88;
	p0 =	sne.s32 s16, s7  }
.Ltmp1:
0x28: {  	[bflag:$0x0] =	sbarrier.arrive $0xFFFF;
	(pc) =	sbr.rel @p0 .LBB2_1-.Ltmp1, $4  }
0x29: {  	[hbm:s13@s14], [sflag:s10] =	dma.strided [spmem:s11@s15], $0x50, s8, $0x10   }
0x2a: {  	_ =	swait.ge [sflag:s8], $0x50  }
0x2b: {  	[sflag:s8] =	ssyncset.done $0x0  }
0x2c: {  	[sflag:s8] =	ssyncadd.s32 $0xFFFFFFB0  }
0x2d: {  	_ =	sfence.sel $0x180000  }
0x2e: {  	[bflag:$0x0] =	sbarrier.arrive $0xFFFF  }
0x2f: {  	p0 =	sne.s32 s0, $0x0;
	_ =	strace $0x90000047  }
0x30: {  	s0 =	sadd.s32 @!p0 $0x100000, s1;
	[bflag:$0x2] =	sbarrier.arrive $0xFFFF  }
0x31: {  	[sflag:s0] =	ssyncadd.tile.s32 @!p0 $0x1;
	_ =	shalt  }
.Lfunc_end2:
_tile_overlayer_lowered:
.L_overlay_start_2:
0x32: {  	(tag) =	ssettag $0x2  }
0x33: {  	s0 =	rddreg [dreg:$0x0];
	s2 =	stileid.u32  }
0x34: {  	s1 =	rddreg [dreg:$0x1];
	p0 =	sne.s32 s2, $0x0  }
0x35: {  	s3 =	rddreg [dreg:$0x2];
	[bflag:$0x3] =	sbarrier.arrive $0xFFFF;
	s2 =	simm.s32 @!p0 $0x1C01  }
0x36: {  	[timem:s3], [sflag:s2] =	dma.local @!p0 [hbm:s0], s1  }
0x37: {  	s0 =	simm.s32 @!p0 $0x1  }
0x38: {  	_ =	swait.ge @!p0 [sflag:s0], s1  }
0x39: {  	s1 =	ssub.s32 @!p0 $0x0, s1;
	[sflag:s0] =	ssyncset.done @!p0 $0x0  }
0x3a: {  	[sflag:s0] =	ssyncadd.s32 @!p0 s1  }
0x3b: {  	[bflag:$0x3] =	sbarrier.arrive $0xFFFF  }
0x3c: {  	_ =	shalt  }

// kernel: kernel.13.cloned.1.call-start
scs
__scs_entry_jumppad:
0x0: {  	(pc) =	sbr.rel $0x88, $3  }
0x1: {  	(tag) =	ssettag $0x0;
	lr =	simm.s32 $0x1  }
0x2: {  	[smem:$0x3F99] =	sst lr;
	_ =	strace $0xD0000000  }
0x3: {  	_ = 	snop  }
0x4: {  	_ = 	snop  }
0x5: {  	_ = 	snop  }
0x6: {  	_ = 	snop  }
0x7: {  	_ = 	snop  }
__scs_overlays_trampoline_lowered:
0x8: {  	[smem:$0x3FA8] =	sst s0  }
0x9: {  	[smem:$0x3FA9] =	sst s1  }
0xa: {  	[smem:$0x3FAA] =	sst s2  }
0xb: {  	[smem:$0x3FAB] =	sst s3  }
0xc: {  	[smem:$0x3FAC] =	sst s4  }
0xd: {  	[smem:$0x3FAD] =	sst s5  }
0xe: {  	[smem:$0x3FAE] =	sst s6  }
0xf: {  	[smem:$0x3FAF] =	sst s7  }
0x10: {  	[smem:$0x3FB0] =	sst s8  }
0x11: {  	[smem:$0x3FB1] =	sst s9;
	s0 =	simm.s32 @!p0 $0x0  }
0x12: {  	s1 =	sld [smem:$0x3F97];
	s0 =	simm.s32 @p0 $0x1  }
0x13: {  	[smem:$0x3FB2] =	sst s0;
	s0 =	simm.s32 @!p1 $0x0  }
0x14: {  	s2 =	sld [smem:$0x3F96];
	s0 =	simm.s32 @p1 $0x1  }
0x15: {  	[smem:$0x3FB3] =	sst s0;
	s0 =	simm.s32 @!p2 $0x0  }
0x16: {  	s3 =	sld [smem:$0x3FDB];
	s0 =	simm.s32 @p2 $0x1  }
0x17: {  	s4 =	simm.s32 $0x1BF5;
	[smem:$0x3FB5] =	sst s0  }
0x18: {  	s0 =	sld [smem:$0x3F98];
	_ =	swait.ge [sflag:s4], $0x0  }
0x19: {  	s7 =	sld [smem:$0x3F99]  }
0x1a: {  	s8 =	sadd.s32 $0xFFFFE003, lr  }
0x1b: {  	s9 =	sadd.s32 $0xFFFFFEF7, lr;
	s5 =	simm.s32 $0xFFFFFFFF;
	p2 =	slt.u32 s8, $0xFFFFF086  }
0x1c: {  	p1 =	slt.u32 s9, $0xF7A;
	s5 =	simm.s32 @!p2 $0x0  }
0x1d: {  	s5 =	simm.s32 @p1 $0x1;
	p0 =	seq.s32 s7, s2  }
0x1e: {  	s7 =	smul.u32 @!p0 $0xF7A, s2;
	p2 =	seq.s32 @!p0 s5, $0x0  }
0x1f: {  	s9 =	smul.u32 $0xF7A, s1;
	s8 =	simm.s32 @!p0 $0x1BF5;
	p2 =	por !p2, p0  }
0x20: {  	[sflag:s8] =	ssyncset.s32 @!p0 $0xFFFFF086;
	s6 =	sadd.s32 @!p0 s3, s7;
	s7 =	simm.s32 @!p0 $0x108  }
0x21: {  	s3 =	sadd.s32 s3, s9;
	s6 =	sadd.s32 @!p0 $0x88, s6;
	s7 =	simm.s32 @p2 $0x1082  }
0x22: {  	[simem:s7], [sflag:s8] =	dma.local @!p0 [hbm:s6], $0xF7A  }
0x23: {  	s9 =	sor.u32 $0xD0000000, s2;
	s6 =	simm.s32 $0x108;
	_ =	swait.ge @!p0 [sflag:s8], $0x0  }
0x24: {  	s3 =	sadd.s32 $0x88, s3;
	s6 =	simm.s32 @!p1 $0x1082;
	[sflag:s4] =	ssyncset.s32 $0xFFFFF086  }
0x25: {  	[simem:s6], [sflag:s4] =	dma.local [hbm:s3], $0xF7A  }
0x26: {  	[smem:$0x3F99] =	sst s1;
	(tag) =	ssettag s2;
	_ =	strace s9  }
0x27: {  	s1 =	sld [smem:$0x3FA9]  }
0x28: {  	s2 =	sld [smem:$0x3FAA]  }
0x29: {  	s4 =	sld [smem:$0x3FAC]  }
0x2a: {  	p0 =	seq.s32 s5, $0x0;
	s5 =	sld [smem:$0x3FAD]  }
0x2b: {  	s6 =	sld [smem:$0x3FAE]  }
0x2c: {  	s7 =	sld [smem:$0x3FAF]  }
0x2d: {  	s3 =	simm.s32 $0x108;
	s8 =	sld [smem:$0x3FB0]  }
0x2e: {  	s3 =	simm.s32 @!p0 $0x1082;
	s9 =	sld [smem:$0x3FB1]  }
0x2f: {  	lr =	sadd.s32 s0, s3;
	s0 =	sld [smem:$0x3FA8]  }
0x30: {  	s3 =	sld [smem:$0x3FAB]  }
0x31: {  	[smem:$0x3FB4] =	sst s10  }
0x32: {  	s10 =	sld [smem:$0x3FB2];
	_ =	sdelay $0x3  }
0x33: {  	p0 =	seq.s32 s10, $0x1;
	s10 =	sld [smem:$0x3FB4];
	_ =	sdelay $0x3  }
0x34: {  	[smem:$0x3FB4] =	sst s10  }
0x35: {  	s10 =	sld [smem:$0x3FB3];
	_ =	sdelay $0x3  }
0x36: {  	p1 =	seq.s32 s10, $0x1;
	s10 =	sld [smem:$0x3FB4];
	_ =	sdelay $0x3  }
0x37: {  	[smem:$0x3FB4] =	sst s10  }
0x38: {  	s10 =	sld [smem:$0x3FB5]  }
0x39: {  	_ = 	snop;
	(pc) =	sbr.ind lr, $3  }
0x3a: {  	_ = 	snop  }
0x3b: {  	_ = 	snop  }
0x3c: {  	p2 =	seq.s32 s10, $0x1;
	s10 =	sld [smem:$0x3FB4]  }
0x3d: {  	_ =	shalt  }
0x3e: {  	_ =	shalt  }
0x3f: {  	_ =	shalt  }
0x40: {  	_ =	shalt  }
0x41: {  	_ =	shalt  }
0x42: {  	_ =	shalt  }
0x43: {  	_ =	shalt  }
0x44: {  	_ =	shalt  }
0x45: {  	_ =	shalt  }
0x46: {  	_ =	shalt  }
0x47: {  	_ =	shalt  }
0x48: {  	_ =	shalt  }
0x49: {  	_ =	shalt  }
0x4a: {  	_ =	shalt  }
0x4b: {  	_ =	shalt  }
0x4c: {  	_ =	shalt  }
0x4d: {  	_ =	shalt  }
0x4e: {  	_ =	shalt  }
0x4f: {  	_ =	shalt  }
0x50: {  	_ =	shalt  }
0x51: {  	_ =	shalt  }
0x52: {  	_ =	shalt  }
0x53: {  	_ =	shalt  }
0x54: {  	_ =	shalt  }
0x55: {  	_ =	shalt  }
0x56: {  	_ =	shalt  }
0x57: {  	_ =	shalt  }
0x58: {  	_ =	shalt  }
0x59: {  	_ =	shalt  }
0x5a: {  	_ =	shalt  }
0x5b: {  	_ =	shalt  }
0x5c: {  	_ =	shalt  }
0x5d: {  	_ =	shalt  }
0x5e: {  	_ =	shalt  }
0x5f: {  	_ =	shalt  }
0x60: {  	_ =	shalt  }
0x61: {  	_ =	shalt  }
0x62: {  	_ =	shalt  }
0x63: {  	_ =	shalt  }
0x64: {  	_ =	shalt  }
0x65: {  	_ =	shalt  }
0x66: {  	_ =	shalt  }
0x67: {  	_ =	shalt  }
0x68: {  	_ =	shalt  }
0x69: {  	_ =	shalt  }
0x6a: {  	_ =	shalt  }
0x6b: {  	_ =	shalt  }
0x6c: {  	_ =	shalt  }
0x6d: {  	_ =	shalt  }
0x6e: {  	_ =	shalt  }
0x6f: {  	_ =	shalt  }
0x70: {  	_ =	shalt  }
0x71: {  	_ =	shalt  }
0x72: {  	_ =	shalt  }
0x73: {  	_ =	shalt  }
0x74: {  	_ =	shalt  }
0x75: {  	_ =	shalt  }
0x76: {  	_ =	shalt  }
0x77: {  	_ =	shalt  }
0x78: {  	_ =	shalt  }
0x79: {  	_ =	shalt  }
0x7a: {  	_ =	shalt  }
0x7b: {  	_ =	shalt  }
0x7c: {  	_ =	shalt  }
0x7d: {  	_ =	shalt  }
0x7e: {  	_ =	shalt  }
0x7f: {  	_ =	shalt  }
0x80: {  	_ =	shalt  }
0x81: {  	_ =	shalt  }
0x82: {  	_ =	shalt  }
0x83: {  	_ =	shalt  }
0x84: {  	_ =	shalt  }
0x85: {  	_ =	shalt  }
0x86: {  	_ =	shalt  }
0x87: {  	_ =	shalt  }
.Lfunc_end0:
.L_simem_size_0:
called_computation.1_lowered:
.L_overlay_start_0:
0x88: {  	s2 =	sld [smem:$0x3FD9]  }
0x89: {  	s3 =	sld [smem:$0x3FFE];
	_ =	sdelay $0x1  }
0x8a: {  	s1 =	srdreg.scid  }
0x8b: {  	s0 =	sand.u32 $0x1, s1  }
0x8c: {  	s17 =	sshll.u32 s0, $0xA;
	s2 =	sadd.s32 s3, s2  }
0x8d: {  	s2 =	sadd.s32 s2, s17  }
0x8e: {  	[smem:$0x3FC0] =	sst s2  }
0x8f: {  	_ = 	snop  }
0x90: {  	s2 =	sld [smem:$0x3FD0];
	(tm) =	ssettm $0x1  }
0x91: {  	s18 =	sld [smem:$0x3FFB];
	_ =	sdelay $0x3  }
0x92: {  	_ =	strace s18  }
0x93: {  	s3 =	sld [smem:$0x3FFC];
	_ =	sdelay $0x3  }
0x94: {  	_ =	strace s3  }
0x95: {  	s3 =	sld [smem:$0x3FFD];
	_ =	sdelay $0x3  }
0x96: {  	_ =	strace s3  }
0x97: {  	_ =	strace $0x8FFFFFFF  }
0x98: {  	s19 =	sld [smem:$0x3FDB];
	_ =	sdelay $0x1  }
0x99: {  	s4 =	simm.s32 $_scs_section_size  }
0x9a: {  	s5 =	simm.s32 $_size__tile_overlayer_lowered;
	s6 =	simm.s32 $_tile_overlayer_lowered  }
0x9b: {  	s22 =	simm.s32 $0x1BFF;
	s21 =	sshll.u32 s6, $0x1;
	s3 =	sadd.s32 s4, s19  }
0x9c: {  	s7 =	simm.s32 $0x0;
	s20 =	sshll.u32 s5, $0x1;
	s5 =	sadd.s32 s21, s3  }
0x9d: {  	[timem:s7], [sflag:s22] =	dma.local [hbm:s5], s20  }
0x9e: {  	_ =	swait.ge [sflag:s22], s20  }
0x9f: {  	s4 =	ssub.s32 $0x0, s20;
	[sflag:s22] =	ssyncset.done $0x0  }
0xa0: {  	[sflag:s22] =	ssyncadd.s32 s4;
	_ =	sdelay $0x1  }
0xa1: {  	s23 =	simm.s32 $0x1B8B  }
0xa2: {  	_ =	swait.ge [sflag:s23], $0x1  }
0xa3: {  	[sflag:s23] =	ssyncset.done $0x0  }
0xa4: {  	s25 =	simm.s32 $0x1B8E;
	s24 =	sld [smem:$0x3FFE];
	[sflag:s23] =	ssyncadd.s32 $0xFFFFFFFF  }
0xa5: {  	s26 =	simm.s32 $execute0_lowered;
	[smem:$0x3FD2] =	sst s25  }
0xa6: {  	s5 =	sshll.u32 s26, $0x1;
	_ =	strace $0x80000049;
	[dreg:$0x1] =	wrdreg $0xFFFFFFFF  }
0xa7: {  	s28 =	simm.s32 $_size_execute0_lowered;
	s3 =	sadd.s32 s3, s5;
	[dreg:$0x0] =	wrdreg $0x0  }
0xa8: {  	s5 =	sshll.u32 s28, $0x1;
	[dreg:$0x2] =	wrdreg s3  }
0xa9: {  	[dreg:$0x3] =	wrdreg s5  }
0xaa: {  	[dreg:$0x4] =	wrdreg $0xC0  }
0xab: {  	_ =	task [dreg:s7], $0x5FFFF  }
0xac: {  	[dreg:$0x1] =	wrdreg $0xFFFFFFFF  }
0xad: {  	[dreg:$0x0] =	wrdreg $0x60  }
0xae: {  	[dreg:$0x2] =	wrdreg s2  }
0xaf: {  	[dreg:$0x3] =	wrdreg s24  }
0xb0: {  	[dreg:$0x4] =	wrdreg $0x94000  }
0xb1: {  	[dreg:$0x5] =	wrdreg $0x9  }
0xb2: {  	_ =	task.clear_ibuf [dreg:s7], $0x6FFFF;
	_ =	strace $0x90000049  }
0xb3: {  	s29 =	simm.s32 $0x9;
	_ =	strace $0x8000004B  }
0xb4: {  	_ =	swait.ge [sflag:s29], $0x1  }
0xb5: {  	[sflag:s29] =	ssyncadd.s32 $0xFFFFFFFF  }
0xb6: {  	_ =	strace $0x9000004B  }
0xb7: {  	_ =	sfence  }
0xb8: {  	s30 =	sld [smem:$0x0];
	_ =	sdelay $0x2  }
0xb9: {  	s31 =	sshll.u32 s1, $0xD;
	s1 =	sshrl.u32 s1, $0x2  }
0xba: {  	s3 =	sand.u32 $0x4000, s31;
	s1 =	sadd.s32 s1, s30  }
0xbb: {  	s0 =	sor.u32 s3, s0;
	s1 =	sshll.u32 s1, $0x11  }
0xbc: {  	s0 =	sor.u32 s1, s0  }
0xbd: {  	s0 =	sadd.s32 $0x8F2B, s0  }
0xbe: {  	[sflag:s0] =	ssyncadd.remote.s32 $0x1  }
0xbf: {  	_ =	sfence.sel $0xFFFF  }
0xc0: {  	[dreg:$0x0] =	wrdreg $0xFFFFFFFF;
	(pc) =	sbr.abs _section_cstart, $3  }
0xc1: {  	[dreg:$0x1] =	wrdreg $0xFFFFFFFF  }
0xc2: {  	_ =	task.clear_ibuf [dreg:s7], $0x2FFFF;
	_ =	strace $0x9FFFFFFF  }
0xc3: {  	(tm) =	ssettm $0x7FFFFFFF  }
tec
execute0_lowered:
.L_overlay_start_1:
0x0: {  	(tag) =	ssettag $0x1  }
0x1: {  	s1 =	rddreg [dreg:$0x0]  }
0x2: {  	s6 =	rddreg [dreg:$0x1];
	s2 =	srdreg.scid  }
0x3: {  	s0 =	stileid.u32;
	s3 =	rddreg [dreg:$0x2];
	s4 =	simm.s32 $0x0  }
0x4: {  	s12 =	simm.s32 $0x2C00;
	s15 =	simm.s32 $0x1;
	s16 =	simm.s32 $0x5580  }
0x5: {  	s5 =	sand.u32 $0x1, s2;
	s2 =	rddreg [dreg:$0x3];
	s11 =	smul.u32 $0x50000, s0  }
0x6: {  	s7 =	sshll.u32 s0, $0x1;
	[smem:$0x7FF] =	sst s4;
	s18 =	smul.u32 $0x2800, s0  }
0x7: {  	s13 =	sshll.u32 s0, $0x6;
	s7 =	sor.u32 s5, s7;
	_ =	strace $0x8000004A  }
0x8: {  	s8 =	smul.u32 $0x28000, s5;
	s9 =	ssub.s32 $0x2, s5;
	s5 =	sadd.s32 $0x19200, s6  }
0x9: {  	s13 =	sor.u32 $0x1C02, s13;
	s7 =	smul.u32 $0x580, s7;
	s10 =	sshrl.u32 s9, $0x1  }
0xa: {  	s31 =	sshrl.u32 s11, $0x2;
	s11 =	simm.s32 $0x5800;
	s8 =	sadd.s32 s8, s6  }
0xb: {  	s9 =	ssub.s32 s9, s10;
	s14 =	sadd.s32 s31, s3;
	s10 =	simm.s32 $0x78  }
0xc: {  	s7 =	sadd.s32 s7, s6;
	s17 =	sadd.s32 $0x1BA00, s8;
	s8 =	smax.u32 s9, $0x1  }
0xd: {  	s9 =	simm.s32 $0x2;
	s14 =	sshrl.u32 s14, $0x3;
	s6 =	sadd.s32 $0xE200, s7  }
0xe: {  	s7 =	sadd.s32 $0x2E00, s7;
	s17 =	sadd.s32 s18, s17;
	s18 =	simm.s32 $0x0  }
.LBB2_1:
0xf: {  	[tilespmem:s4], [sflag:$0x2] =	stream.linear.gather [hbm4b:s6+s4], $0x2A00, $0x38;
	[tilespmem:$0x1D400] =	vst v63  }
0x10: {  	_ =	swait.ge [sflag:s9], $0x2A00  }
0x11: {  	[sflag:s9] =	ssyncset.done $0x0  }
0x12: {  	[sflag:s9] =	ssyncadd.s32 $0xFFFFD600  }
0x13: {  	[tilespmem:s11], [sflag:$0x1] =	stream.indirect.gather [hbm4b:s1+s10], $0x80, s4, s10, $0xb8;
	[tilespmem:$0x1D400] =	vst v63  }
0x14: {  	_ = 	snop  }
0x15: {  	[tilespmem:s12], [sflag:$0x2] =	stream.linear.gather [hbm4b:s7+s4], $0x2A00, $0x38;
	[tilespmem:$0x1D400] =	vst v63  }
0x16: {  	_ =	swait.ge [sflag:s9], $0x2A00  }
0x17: {  	[sflag:s9] =	ssyncset.done $0x0  }
0x18: {  	[sflag:s9] =	ssyncadd.s32 $0xFFFFD600  }
0x19: {  	[spmem:s14], [sflag:s13] =	dma.local [hbm:s5], $0x2800  }
0x1a: {  	_ =	swait.ge [sflag:s9], $0x2800  }
0x1b: {  	[sflag:s9] =	ssyncset.done $0x0  }
0x1c: {  	[sflag:s9] =	ssyncadd.s32 $0xFFFFD800  }
0x1d: {  	[bflag:$0x0] =	sbarrier.arrive $0xFFFF  }
0x1e: {  	_ =	swait.ge [sflag:s15], $0x3C00  }
0x1f: {  	[sflag:s15] =	ssyncset.done $0x0  }
0x20: {  	s19 =	simm.s32 $0x2C00;
	[sflag:s15] =	ssyncadd.s32 $0xFFFFC400  }
0x21: {  	[spmem:s3] =	stream.indirect.scatter.add.f32 [tilespmem:s11], [sflag:$0x2], $0x80, s19, s10, $0xb8;
	[tilespmem:$0x1D400] =	vst v63  }
0x22: {  	_ =	swait.ge [sflag:s9], $0x3C00  }
0x23: {  	[sflag:s9] =	ssyncset.done $0x0  }
0x24: {  	s20 =	simm.s32 $0x80;
	s19 =	simm.s32 $0x200;
	[sflag:s9] =	ssyncadd.s32 $0xFFFFC400  }
.LBB2_2:
0x25: {  	[tilespmem:s11], [sflag:$0x1] =	stream.indirect.gather [hbm4b:s1+s10], $0x80, s20, s10, $0xb8;
	[tilespmem:$0x1D400] =	vst v63  }
0x26: {  	s20 =	smov.u32 s19  }
0x27: {  	p0 =	sne.s32 s19, $0xA400;
	s19 =	sadd.s32 $0x200, s19;
	_ =	swait.ge [sflag:s15], $0x3C00  }
0x28: {  	s20 =	sshra.s32 s20, $0x2;
	[sflag:s15] =	ssyncset.done $0x0  }
.Ltmp0:
0x29: {  	s21 =	sadd.s32 $0x2C00, s20;
	[sflag:s15] =	ssyncadd.s32 $0xFFFFC400;
	(pc) =	sbr.rel @p0 .LBB2_2-.Ltmp0, $4  }
0x2a: {  	[spmem:s3] =	stream.indirect.scatter.add.f32 [tilespmem:s11], [sflag:$0x2], $0x80, s21, s10, $0xb8;
	[tilespmem:$0x1D400] =	vst v63  }
0x2b: {  	_ =	swait.ge [sflag:s9], $0x3C00  }
0x2c: {  	[sflag:s9] =	ssyncset.done $0x0  }
0x2d: {  	s20 =	sadd.s32 $0x80, s20;
	[sflag:s9] =	ssyncadd.s32 $0xFFFFC400  }
0x2e: {  	[tilespmem:s11], [sflag:$0x1] =	stream.indirect.gather [hbm4b:s1+s10], $0x80, s20, s10, $0xb8;
	[tilespmem:$0x1D400] =	vst v63  }
0x2f: {  	_ =	swait.ge [sflag:s15], $0x3C00  }
0x30: {  	[sflag:s15] =	ssyncset.done $0x0  }
0x31: {  	[sflag:s15] =	ssyncadd.s32 $0xFFFFC400  }
0x32: {  	[spmem:s3] =	stream.indirect.scatter.add.f32 [tilespmem:s11], [sflag:$0x2], $0x80, s16, s10, $0xb8;
	[tilespmem:$0x1D400] =	vst v63  }
0x33: {  	_ =	swait.ge [sflag:s9], $0x3C00  }
0x34: {  	s18 =	sadd.s32 $0x1, s18;
	[sflag:s9] =	ssyncset.done $0x0  }
0x35: {  	p0 =	sne.s32 s18, s8;
	[sflag:s9] =	ssyncadd.s32 $0xFFFFC400  }
.Ltmp1:
0x36: {  	[bflag:$0x0] =	sbarrier.arrive $0xFFFF;
	(pc) =	sbr.rel @p0 .LBB2_1-.Ltmp1, $4  }
0x37: {  	[hbm:s17], [sflag:s13] =	dma.local [spmem:s14], $0x2800  }
0x38: {  	_ =	swait.ge [sflag:s9], $0x2800  }
0x39: {  	[sflag:s9] =	ssyncset.done $0x0  }
0x3a: {  	[sflag:s9] =	ssyncadd.s32 $0xFFFFD800  }
0x3b: {  	_ =	sfence.sel $0x180000  }
0x3c: {  	[bflag:$0x0] =	sbarrier.arrive $0xFFFF  }
0x3d: {  	p0 =	sne.s32 s0, $0x0;
	_ =	strace $0x9000004A  }
0x3e: {  	s0 =	sadd.s32 @!p0 $0x100000, s2;
	[bflag:$0x2] =	sbarrier.arrive $0xFFFF  }
0x3f: {  	[sflag:s0] =	ssyncadd.tile.s32 @!p0 $0x1;
	_ =	shalt  }
.Lfunc_end2:
_tile_overlayer_lowered:
.L_overlay_start_2:
0x40: {  	(tag) =	ssettag $0x2  }
0x41: {  	s0 =	rddreg [dreg:$0x0];
	s2 =	stileid.u32  }
0x42: {  	s1 =	rddreg [dreg:$0x1];
	p0 =	sne.s32 s2, $0x0  }
0x43: {  	s3 =	rddreg [dreg:$0x2];
	[bflag:$0x3] =	sbarrier.arrive $0xFFFF;
	s2 =	simm.s32 @!p0 $0x1C02  }
0x44: {  	[timem:s3], [sflag:s2] =	dma.local @!p0 [hbm:s0], s1  }
0x45: {  	s0 =	simm.s32 @!p0 $0x2  }
0x46: {  	_ =	swait.ge @!p0 [sflag:s0], s1  }
0x47: {  	s1 =	ssub.s32 @!p0 $0x0, s1;
	[sflag:s0] =	ssyncset.done @!p0 $0x0  }
0x48: {  	[sflag:s0] =	ssyncadd.s32 @!p0 s1  }
0x49: {  	[bflag:$0x3] =	sbarrier.arrive $0xFFFF  }
0x4a: {  	_ =	shalt  }

// kernel: kernel.16.cloned.1.call-start
scs
__scs_entry_jumppad:
0x0: {  	(pc) =	sbr.rel $0x88, $3  }
0x1: {  	(tag) =	ssettag $0x0;
	lr =	simm.s32 $0x1  }
0x2: {  	[smem:$0x3F99] =	sst lr;
	_ =	strace $0xD0000000  }
0x3: {  	_ = 	snop  }
0x4: {  	_ = 	snop  }
0x5: {  	_ = 	snop  }
0x6: {  	_ = 	snop  }
0x7: {  	_ = 	snop  }
__scs_overlays_trampoline_lowered:
0x8: {  	[smem:$0x3FA8] =	sst s0  }
0x9: {  	[smem:$0x3FA9] =	sst s1  }
0xa: {  	[smem:$0x3FAA] =	sst s2  }
0xb: {  	[smem:$0x3FAB] =	sst s3  }
0xc: {  	[smem:$0x3FAC] =	sst s4  }
0xd: {  	[smem:$0x3FAD] =	sst s5  }
0xe: {  	[smem:$0x3FAE] =	sst s6  }
0xf: {  	[smem:$0x3FAF] =	sst s7  }
0x10: {  	[smem:$0x3FB0] =	sst s8  }
0x11: {  	[smem:$0x3FB1] =	sst s9;
	s0 =	simm.s32 @!p0 $0x0  }
0x12: {  	s1 =	sld [smem:$0x3F97];
	s0 =	simm.s32 @p0 $0x1  }
0x13: {  	[smem:$0x3FB2] =	sst s0;
	s0 =	simm.s32 @!p1 $0x0  }
0x14: {  	s2 =	sld [smem:$0x3F96];
	s0 =	simm.s32 @p1 $0x1  }
0x15: {  	[smem:$0x3FB3] =	sst s0;
	s0 =	simm.s32 @!p2 $0x0  }
0x16: {  	s3 =	sld [smem:$0x3FDB];
	s0 =	simm.s32 @p2 $0x1  }
0x17: {  	s4 =	simm.s32 $0x1BF5;
	[smem:$0x3FB5] =	sst s0  }
0x18: {  	s0 =	sld [smem:$0x3F98];
	_ =	swait.ge [sflag:s4], $0x0  }
0x19: {  	s7 =	sld [smem:$0x3F99]  }
0x1a: {  	s8 =	sadd.s32 $0xFFFFE003, lr  }
0x1b: {  	s9 =	sadd.s32 $0xFFFFFEF7, lr;
	s5 =	simm.s32 $0xFFFFFFFF;
	p2 =	slt.u32 s8, $0xFFFFF086  }
0x1c: {  	p1 =	slt.u32 s9, $0xF7A;
	s5 =	simm.s32 @!p2 $0x0  }
0x1d: {  	s5 =	simm.s32 @p1 $0x1;
	p0 =	seq.s32 s7, s2  }
0x1e: {  	s7 =	smul.u32 @!p0 $0xF7A, s2;
	p2 =	seq.s32 @!p0 s5, $0x0  }
0x1f: {  	s9 =	smul.u32 $0xF7A, s1;
	s8 =	simm.s32 @!p0 $0x1BF5;
	p2 =	por !p2, p0  }
0x20: {  	[sflag:s8] =	ssyncset.s32 @!p0 $0xFFFFF086;
	s6 =	sadd.s32 @!p0 s3, s7;
	s7 =	simm.s32 @!p0 $0x108  }
0x21: {  	s3 =	sadd.s32 s3, s9;
	s6 =	sadd.s32 @!p0 $0x88, s6;
	s7 =	simm.s32 @p2 $0x1082  }
0x22: {  	[simem:s7], [sflag:s8] =	dma.local @!p0 [hbm:s6], $0xF7A  }
0x23: {  	s9 =	sor.u32 $0xD0000000, s2;
	s6 =	simm.s32 $0x108;
	_ =	swait.ge @!p0 [sflag:s8], $0x0  }
0x24: {  	s3 =	sadd.s32 $0x88, s3;
	s6 =	simm.s32 @!p1 $0x1082;
	[sflag:s4] =	ssyncset.s32 $0xFFFFF086  }
0x25: {  	[simem:s6], [sflag:s4] =	dma.local [hbm:s3], $0xF7A  }
0x26: {  	[smem:$0x3F99] =	sst s1;
	(tag) =	ssettag s2;
	_ =	strace s9  }
0x27: {  	s1 =	sld [smem:$0x3FA9]  }
0x28: {  	s2 =	sld [smem:$0x3FAA]  }
0x29: {  	s4 =	sld [smem:$0x3FAC]  }
0x2a: {  	p0 =	seq.s32 s5, $0x0;
	s5 =	sld [smem:$0x3FAD]  }
0x2b: {  	s6 =	sld [smem:$0x3FAE]  }
0x2c: {  	s7 =	sld [smem:$0x3FAF]  }
0x2d: {  	s3 =	simm.s32 $0x108;
	s8 =	sld [smem:$0x3FB0]  }
0x2e: {  	s3 =	simm.s32 @!p0 $0x1082;
	s9 =	sld [smem:$0x3FB1]  }
0x2f: {  	lr =	sadd.s32 s0, s3;
	s0 =	sld [smem:$0x3FA8]  }
0x30: {  	s3 =	sld [smem:$0x3FAB]  }
0x31: {  	[smem:$0x3FB4] =	sst s10  }
0x32: {  	s10 =	sld [smem:$0x3FB2];
	_ =	sdelay $0x3  }
0x33: {  	p0 =	seq.s32 s10, $0x1;
	s10 =	sld [smem:$0x3FB4];
	_ =	sdelay $0x3  }
0x34: {  	[smem:$0x3FB4] =	sst s10  }
0x35: {  	s10 =	sld [smem:$0x3FB3];
	_ =	sdelay $0x3  }
0x36: {  	p1 =	seq.s32 s10, $0x1;
	s10 =	sld [smem:$0x3FB4];
	_ =	sdelay $0x3  }
0x37: {  	[smem:$0x3FB4] =	sst s10  }
0x38: {  	s10 =	sld [smem:$0x3FB5]  }
0x39: {  	_ = 	snop;
	(pc) =	sbr.ind lr, $3  }
0x3a: {  	_ = 	snop  }
0x3b: {  	_ = 	snop  }
0x3c: {  	p2 =	seq.s32 s10, $0x1;
	s10 =	sld [smem:$0x3FB4]  }
0x3d: {  	_ =	shalt  }
0x3e: {  	_ =	shalt  }
0x3f: {  	_ =	shalt  }
0x40: {  	_ =	shalt  }
0x41: {  	_ =	shalt  }
0x42: {  	_ =	shalt  }
0x43: {  	_ =	shalt  }
0x44: {  	_ =	shalt  }
0x45: {  	_ =	shalt  }
0x46: {  	_ =	shalt  }
0x47: {  	_ =	shalt  }
0x48: {  	_ =	shalt  }
0x49: {  	_ =	shalt  }
0x4a: {  	_ =	shalt  }
0x4b: {  	_ =	shalt  }
0x4c: {  	_ =	shalt  }
0x4d: {  	_ =	shalt  }
0x4e: {  	_ =	shalt  }
0x4f: {  	_ =	shalt  }
0x50: {  	_ =	shalt  }
0x51: {  	_ =	shalt  }
0x52: {  	_ =	shalt  }
0x53: {  	_ =	shalt  }
0x54: {  	_ =	shalt  }
0x55: {  	_ =	shalt  }
0x56: {  	_ =	shalt  }
0x57: {  	_ =	shalt  }
0x58: {  	_ =	shalt  }
0x59: {  	_ =	shalt  }
0x5a: {  	_ =	shalt  }
0x5b: {  	_ =	shalt  }
0x5c: {  	_ =	shalt  }
0x5d: {  	_ =	shalt  }
0x5e: {  	_ =	shalt  }
0x5f: {  	_ =	shalt  }
0x60: {  	_ =	shalt  }
0x61: {  	_ =	shalt  }
0x62: {  	_ =	shalt  }
0x63: {  	_ =	shalt  }
0x64: {  	_ =	shalt  }
0x65: {  	_ =	shalt  }
0x66: {  	_ =	shalt  }
0x67: {  	_ =	shalt  }
0x68: {  	_ =	shalt  }
0x69: {  	_ =	shalt  }
0x6a: {  	_ =	shalt  }
0x6b: {  	_ =	shalt  }
0x6c: {  	_ =	shalt  }
0x6d: {  	_ =	shalt  }
0x6e: {  	_ =	shalt  }
0x6f: {  	_ =	shalt  }
0x70: {  	_ =	shalt  }
0x71: {  	_ =	shalt  }
0x72: {  	_ =	shalt  }
0x73: {  	_ =	shalt  }
0x74: {  	_ =	shalt  }
0x75: {  	_ =	shalt  }
0x76: {  	_ =	shalt  }
0x77: {  	_ =	shalt  }
0x78: {  	_ =	shalt  }
0x79: {  	_ =	shalt  }
0x7a: {  	_ =	shalt  }
0x7b: {  	_ =	shalt  }
0x7c: {  	_ =	shalt  }
0x7d: {  	_ =	shalt  }
0x7e: {  	_ =	shalt  }
0x7f: {  	_ =	shalt  }
0x80: {  	_ =	shalt  }
0x81: {  	_ =	shalt  }
0x82: {  	_ =	shalt  }
0x83: {  	_ =	shalt  }
0x84: {  	_ =	shalt  }
0x85: {  	_ =	shalt  }
0x86: {  	_ =	shalt  }
0x87: {  	_ =	shalt  }
.Lfunc_end0:
.L_simem_size_0:
called_computation.2_lowered:
.L_overlay_start_0:
0x88: {  	s2 =	sld [smem:$0x3FD9]  }
0x89: {  	s3 =	sld [smem:$0x3FFE];
	_ =	sdelay $0x1  }
0x8a: {  	s1 =	srdreg.scid  }
0x8b: {  	s0 =	sand.u32 $0x1, s1  }
0x8c: {  	s17 =	sshll.u32 s0, $0xA;
	s2 =	sadd.s32 s3, s2  }
0x8d: {  	s2 =	sadd.s32 s2, s17  }
0x8e: {  	[smem:$0x3FC0] =	sst s2  }
0x8f: {  	_ = 	snop  }
0x90: {  	s2 =	sld [smem:$0x3FD0];
	(tm) =	ssettm $0x1  }
0x91: {  	s18 =	sld [smem:$0x3FFB];
	_ =	sdelay $0x3  }
0x92: {  	_ =	strace s18  }
0x93: {  	s3 =	sld [smem:$0x3FFC];
	_ =	sdelay $0x3  }
0x94: {  	_ =	strace s3  }
0x95: {  	s3 =	sld [smem:$0x3FFD];
	_ =	sdelay $0x3  }
0x96: {  	_ =	strace s3  }
0x97: {  	_ =	strace $0x8FFFFFFF  }
0x98: {  	s19 =	sld [smem:$0x3FDB];
	_ =	sdelay $0x1  }
0x99: {  	s4 =	simm.s32 $_scs_section_size  }
0x9a: {  	s5 =	simm.s32 $_size__tile_overlayer_lowered;
	s6 =	simm.s32 $_tile_overlayer_lowered  }
0x9b: {  	s22 =	simm.s32 $0x1BFF;
	s21 =	sshll.u32 s6, $0x1;
	s3 =	sadd.s32 s4, s19  }
0x9c: {  	s7 =	simm.s32 $0x0;
	s20 =	sshll.u32 s5, $0x1;
	s5 =	sadd.s32 s21, s3  }
0x9d: {  	[timem:s7], [sflag:s22] =	dma.local [hbm:s5], s20  }
0x9e: {  	_ =	swait.ge [sflag:s22], s20  }
0x9f: {  	s4 =	ssub.s32 $0x0, s20;
	[sflag:s22] =	ssyncset.done $0x0  }
0xa0: {  	[sflag:s22] =	ssyncadd.s32 s4;
	_ =	sdelay $0x1  }
0xa1: {  	s23 =	simm.s32 $0x1B8B  }
0xa2: {  	_ =	swait.ge [sflag:s23], $0x1  }
0xa3: {  	[sflag:s23] =	ssyncset.done $0x0  }
0xa4: {  	s25 =	simm.s32 $0x1B8E;
	s24 =	sld [smem:$0x3FFE];
	[sflag:s23] =	ssyncadd.s32 $0xFFFFFFFF  }
0xa5: {  	s26 =	simm.s32 $execute0_lowered;
	[smem:$0x3FD2] =	sst s25  }
0xa6: {  	s5 =	sshll.u32 s26, $0x1;
	_ =	strace $0x8000004C;
	[dreg:$0x1] =	wrdreg $0xFFFFFFFF  }
0xa7: {  	s28 =	simm.s32 $_size_execute0_lowered;
	s3 =	sadd.s32 s3, s5;
	[dreg:$0x0] =	wrdreg $0x0  }
0xa8: {  	s5 =	sshll.u32 s28, $0x1;
	[dreg:$0x2] =	wrdreg s3  }
0xa9: {  	[dreg:$0x3] =	wrdreg s5  }
0xaa: {  	[dreg:$0x4] =	wrdreg $0xC0  }
0xab: {  	_ =	task [dreg:s7], $0x5FFFF  }
0xac: {  	[dreg:$0x1] =	wrdreg $0xFFFFFFFF  }
0xad: {  	[dreg:$0x0] =	wrdreg $0x60  }
0xae: {  	[dreg:$0x2] =	wrdreg s2  }
0xaf: {  	[dreg:$0x3] =	wrdreg s24  }
0xb0: {  	[dreg:$0x4] =	wrdreg $0x94000  }
0xb1: {  	[dreg:$0x5] =	wrdreg $0x9  }
0xb2: {  	_ =	task.clear_ibuf [dreg:s7], $0x6FFFF;
	_ =	strace $0x9000004C  }
0xb3: {  	s29 =	simm.s32 $0x9;
	_ =	strace $0x8000004E  }
0xb4: {  	_ =	swait.ge [sflag:s29], $0x1  }
0xb5: {  	[sflag:s29] =	ssyncadd.s32 $0xFFFFFFFF  }
0xb6: {  	_ =	strace $0x9000004E  }
0xb7: {  	_ =	sfence  }
0xb8: {  	s30 =	sld [smem:$0x0];
	_ =	sdelay $0x2  }
0xb9: {  	s31 =	sshll.u32 s1, $0xD;
	s1 =	sshrl.u32 s1, $0x2  }
0xba: {  	s3 =	sand.u32 $0x4000, s31;
	s1 =	sadd.s32 s1, s30  }
0xbb: {  	s0 =	sor.u32 s3, s0;
	s1 =	sshll.u32 s1, $0x11  }
0xbc: {  	s0 =	sor.u32 s1, s0  }
0xbd: {  	s0 =	sadd.s32 $0x8F2B, s0  }
0xbe: {  	[sflag:s0] =	ssyncadd.remote.s32 $0x1  }
0xbf: {  	_ =	sfence.sel $0xFFFF  }
0xc0: {  	[dreg:$0x0] =	wrdreg $0xFFFFFFFF;
	(pc) =	sbr.abs _section_cstart, $3  }
0xc1: {  	[dreg:$0x1] =	wrdreg $0xFFFFFFFF  }
0xc2: {  	_ =	task.clear_ibuf [dreg:s7], $0x2FFFF;
	_ =	strace $0x9FFFFFFF  }
0xc3: {  	(tm) =	ssettm $0x7FFFFFFF  }
tec
execute0_lowered:
.L_overlay_start_1:
0x0: {  	(tag) =	ssettag $0x1  }
0x1: {  	s1 =	rddreg [dreg:$0x0]  }
0x2: {  	s6 =	rddreg [dreg:$0x1];
	s2 =	srdreg.scid  }
0x3: {  	s0 =	stileid.u32;
	s3 =	rddreg [dreg:$0x2];
	s4 =	simm.s32 $0x0  }
0x4: {  	s12 =	simm.s32 $0x2C00;
	s15 =	simm.s32 $0x1;
	s16 =	simm.s32 $0x5580  }
0x5: {  	s5 =	sand.u32 $0x1, s2;
	s2 =	rddreg [dreg:$0x3];
	s11 =	smul.u32 $0x50000, s0  }
0x6: {  	s7 =	sshll.u32 s0, $0x1;
	[smem:$0x7FF] =	sst s4;
	s18 =	smul.u32 $0x2800, s0  }
0x7: {  	s13 =	sshll.u32 s0, $0x6;
	s7 =	sor.u32 s5, s7;
	_ =	strace $0x8000004D  }
0x8: {  	s8 =	smul.u32 $0x28000, s5;
	s9 =	ssub.s32 $0x2, s5;
	s5 =	sadd.s32 $0x19200, s6  }
0x9: {  	s13 =	sor.u32 $0x1C02, s13;
	s7 =	smul.u32 $0x580, s7;
	s10 =	sshrl.u32 s9, $0x1  }
0xa: {  	s31 =	sshrl.u32 s11, $0x2;
	s11 =	simm.s32 $0x5800;
	s8 =	sadd.s32 s8, s6  }
0xb: {  	s9 =	ssub.s32 s9, s10;
	s14 =	sadd.s32 s31, s3;
	s10 =	simm.s32 $0x78  }
0xc: {  	s7 =	sadd.s32 s7, s6;
	s17 =	sadd.s32 $0x1BA00, s8;
	s8 =	smax.u32 s9, $0x1  }
0xd: {  	s9 =	simm.s32 $0x2;
	s14 =	sshrl.u32 s14, $0x3;
	s6 =	sadd.s32 $0xE200, s7  }
0xe: {  	s7 =	sadd.s32 $0x2E00, s7;
	s17 =	sadd.s32 s18, s17;
	s18 =	simm.s32 $0x0  }
.LBB2_1:
0xf: {  	[tilespmem:s4], [sflag:$0x2] =	stream.linear.gather [hbm4b:s6+s4], $0x2A00, $0x38;
	[tilespmem:$0x1D400] =	vst v63  }
0x10: {  	_ =	swait.ge [sflag:s9], $0x2A00  }
0x11: {  	[sflag:s9] =	ssyncset.done $0x0  }
0x12: {  	[sflag:s9] =	ssyncadd.s32 $0xFFFFD600  }
0x13: {  	[tilespmem:s11], [sflag:$0x1] =	stream.indirect.gather [hbm4b:s1+s10], $0x80, s4, s10, $0xb8;
	[tilespmem:$0x1D400] =	vst v63  }
0x14: {  	_ = 	snop  }
0x15: {  	[tilespmem:s12], [sflag:$0x2] =	stream.linear.gather [hbm4b:s7+s4], $0x2A00, $0x38;
	[tilespmem:$0x1D400] =	vst v63  }
0x16: {  	_ =	swait.ge [sflag:s9], $0x2A00  }
0x17: {  	[sflag:s9] =	ssyncset.done $0x0  }
0x18: {  	[sflag:s9] =	ssyncadd.s32 $0xFFFFD600  }
0x19: {  	[spmem:s14], [sflag:s13] =	dma.local [hbm:s5], $0x2800  }
0x1a: {  	_ =	swait.ge [sflag:s9], $0x2800  }
0x1b: {  	[sflag:s9] =	ssyncset.done $0x0  }
0x1c: {  	[sflag:s9] =	ssyncadd.s32 $0xFFFFD800  }
0x1d: {  	[bflag:$0x0] =	sbarrier.arrive $0xFFFF  }
0x1e: {  	_ =	swait.ge [sflag:s15], $0x3C00  }
0x1f: {  	[sflag:s15] =	ssyncset.done $0x0  }
0x20: {  	s19 =	simm.s32 $0x2C00;
	[sflag:s15] =	ssyncadd.s32 $0xFFFFC400  }
0x21: {  	[spmem:s3] =	stream.indirect.scatter.add.f32 [tilespmem:s11], [sflag:$0x2], $0x80, s19, s10, $0xb8;
	[tilespmem:$0x1D400] =	vst v63  }
0x22: {  	_ =	swait.ge [sflag:s9], $0x3C00  }
0x23: {  	[sflag:s9] =	ssyncset.done $0x0  }
0x24: {  	s20 =	simm.s32 $0x80;
	s19 =	simm.s32 $0x200;
	[sflag:s9] =	ssyncadd.s32 $0xFFFFC400  }
.LBB2_2:
0x25: {  	[tilespmem:s11], [sflag:$0x1] =	stream.indirect.gather [hbm4b:s1+s10], $0x80, s20, s10, $0xb8;
	[tilespmem:$0x1D400] =	vst v63  }
0x26: {  	s20 =	smov.u32 s19  }
0x27: {  	p0 =	sne.s32 s19, $0xA400;
	s19 =	sadd.s32 $0x200, s19;
	_ =	swait.ge [sflag:s15], $0x3C00  }
0x28: {  	s20 =	sshra.s32 s20, $0x2;
	[sflag:s15] =	ssyncset.done $0x0  }
.Ltmp0:
0x29: {  	s21 =	sadd.s32 $0x2C00, s20;
	[sflag:s15] =	ssyncadd.s32 $0xFFFFC400;
	(pc) =	sbr.rel @p0 .LBB2_2-.Ltmp0, $4  }
0x2a: {  	[spmem:s3] =	stream.indirect.scatter.add.f32 [tilespmem:s11], [sflag:$0x2], $0x80, s21, s10, $0xb8;
	[tilespmem:$0x1D400] =	vst v63  }
0x2b: {  	_ =	swait.ge [sflag:s9], $0x3C00  }
0x2c: {  	[sflag:s9] =	ssyncset.done $0x0  }
0x2d: {  	s20 =	sadd.s32 $0x80, s20;
	[sflag:s9] =	ssyncadd.s32 $0xFFFFC400  }
0x2e: {  	[tilespmem:s11], [sflag:$0x1] =	stream.indirect.gather [hbm4b:s1+s10], $0x80, s20, s10, $0xb8;
	[tilespmem:$0x1D400] =	vst v63  }
0x2f: {  	_ =	swait.ge [sflag:s15], $0x3C00  }
0x30: {  	[sflag:s15] =	ssyncset.done $0x0  }
0x31: {  	[sflag:s15] =	ssyncadd.s32 $0xFFFFC400  }
0x32: {  	[spmem:s3] =	stream.indirect.scatter.add.f32 [tilespmem:s11], [sflag:$0x2], $0x80, s16, s10, $0xb8;
	[tilespmem:$0x1D400] =	vst v63  }
0x33: {  	_ =	swait.ge [sflag:s9], $0x3C00  }
0x34: {  	s18 =	sadd.s32 $0x1, s18;
	[sflag:s9] =	ssyncset.done $0x0  }
0x35: {  	p0 =	sne.s32 s18, s8;
	[sflag:s9] =	ssyncadd.s32 $0xFFFFC400  }
.Ltmp1:
0x36: {  	[bflag:$0x0] =	sbarrier.arrive $0xFFFF;
	(pc) =	sbr.rel @p0 .LBB2_1-.Ltmp1, $4  }
0x37: {  	[hbm:s17], [sflag:s13] =	dma.local [spmem:s14], $0x2800  }
0x38: {  	_ =	swait.ge [sflag:s9], $0x2800  }
0x39: {  	[sflag:s9] =	ssyncset.done $0x0  }
0x3a: {  	[sflag:s9] =	ssyncadd.s32 $0xFFFFD800  }
0x3b: {  	_ =	sfence.sel $0x180000  }
0x3c: {  	[bflag:$0x0] =	sbarrier.arrive $0xFFFF  }
0x3d: {  	p0 =	sne.s32 s0, $0x0;
	_ =	strace $0x9000004D  }
0x3e: {  	s0 =	sadd.s32 @!p0 $0x100000, s2;
	[bflag:$0x2] =	sbarrier.arrive $0xFFFF  }
0x3f: {  	[sflag:s0] =	ssyncadd.tile.s32 @!p0 $0x1;
	_ =	shalt  }
.Lfunc_end2:
_tile_overlayer_lowered:
.L_overlay_start_2:
0x40: {  	(tag) =	ssettag $0x2  }
0x41: {  	s0 =	rddreg [dreg:$0x0];
	s2 =	stileid.u32  }
0x42: {  	s1 =	rddreg [dreg:$0x1];
	p0 =	sne.s32 s2, $0x0  }
0x43: {  	s3 =	rddreg [dreg:$0x2];
	[bflag:$0x3] =	sbarrier.arrive $0xFFFF;
	s2 =	simm.s32 @!p0 $0x1C02  }
0x44: {  	[timem:s3], [sflag:s2] =	dma.local @!p0 [hbm:s0], s1  }
0x45: {  	s0 =	simm.s32 @!p0 $0x2  }
0x46: {  	_ =	swait.ge @!p0 [sflag:s0], s1  }
0x47: {  	s1 =	ssub.s32 @!p0 $0x0, s1;
	[sflag:s0] =	ssyncset.done @!p0 $0x0  }
0x48: {  	[sflag:s0] =	ssyncadd.s32 @!p0 s1  }
0x49: {  	[bflag:$0x3] =	sbarrier.arrive $0xFFFF  }
0x4a: {  	_ =	shalt  }

// kernel: kernel.19.cloned.1.call-start
scs
__scs_entry_jumppad:
0x0: {  	(pc) =	sbr.rel $0x88, $3  }
0x1: {  	(tag) =	ssettag $0x0;
	lr =	simm.s32 $0x1  }
0x2: {  	[smem:$0x3F99] =	sst lr;
	_ =	strace $0xD0000000  }
0x3: {  	_ = 	snop  }
0x4: {  	_ = 	snop  }
0x5: {  	_ = 	snop  }
0x6: {  	_ = 	snop  }
0x7: {  	_ = 	snop  }
__scs_overlays_trampoline_lowered:
0x8: {  	[smem:$0x3FA8] =	sst s0  }
0x9: {  	[smem:$0x3FA9] =	sst s1  }
0xa: {  	[smem:$0x3FAA] =	sst s2  }
0xb: {  	[smem:$0x3FAB] =	sst s3  }
0xc: {  	[smem:$0x3FAC] =	sst s4  }
0xd: {  	[smem:$0x3FAD] =	sst s5  }
0xe: {  	[smem:$0x3FAE] =	sst s6  }
0xf: {  	[smem:$0x3FAF] =	sst s7  }
0x10: {  	[smem:$0x3FB0] =	sst s8  }
0x11: {  	[smem:$0x3FB1] =	sst s9;
	s0 =	simm.s32 @!p0 $0x0  }
0x12: {  	s1 =	sld [smem:$0x3F97];
	s0 =	simm.s32 @p0 $0x1  }
0x13: {  	[smem:$0x3FB2] =	sst s0;
	s0 =	simm.s32 @!p1 $0x0  }
0x14: {  	s2 =	sld [smem:$0x3F96];
	s0 =	simm.s32 @p1 $0x1  }
0x15: {  	[smem:$0x3FB3] =	sst s0;
	s0 =	simm.s32 @!p2 $0x0  }
0x16: {  	s3 =	sld [smem:$0x3FDB];
	s0 =	simm.s32 @p2 $0x1  }
0x17: {  	s4 =	simm.s32 $0x1BF5;
	[smem:$0x3FB5] =	sst s0  }
0x18: {  	s0 =	sld [smem:$0x3F98];
	_ =	swait.ge [sflag:s4], $0x0  }
0x19: {  	s7 =	sld [smem:$0x3F99]  }
0x1a: {  	s8 =	sadd.s32 $0xFFFFE003, lr  }
0x1b: {  	s9 =	sadd.s32 $0xFFFFFEF7, lr;
	s5 =	simm.s32 $0xFFFFFFFF;
	p2 =	slt.u32 s8, $0xFFFFF086  }
0x1c: {  	p1 =	slt.u32 s9, $0xF7A;
	s5 =	simm.s32 @!p2 $0x0  }
0x1d: {  	s5 =	simm.s32 @p1 $0x1;
	p0 =	seq.s32 s7, s2  }
0x1e: {  	s7 =	smul.u32 @!p0 $0xF7A, s2;
	p2 =	seq.s32 @!p0 s5, $0x0  }
0x1f: {  	s9 =	smul.u32 $0xF7A, s1;
	s8 =	simm.s32 @!p0 $0x1BF5;
	p2 =	por !p2, p0  }
0x20: {  	[sflag:s8] =	ssyncset.s32 @!p0 $0xFFFFF086;
	s6 =	sadd.s32 @!p0 s3, s7;
	s7 =	simm.s32 @!p0 $0x108  }
0x21: {  	s3 =	sadd.s32 s3, s9;
	s6 =	sadd.s32 @!p0 $0x88, s6;
	s7 =	simm.s32 @p2 $0x1082  }
0x22: {  	[simem:s7], [sflag:s8] =	dma.local @!p0 [hbm:s6], $0xF7A  }
0x23: {  	s9 =	sor.u32 $0xD0000000, s2;
	s6 =	simm.s32 $0x108;
	_ =	swait.ge @!p0 [sflag:s8], $0x0  }
0x24: {  	s3 =	sadd.s32 $0x88, s3;
	s6 =	simm.s32 @!p1 $0x1082;
	[sflag:s4] =	ssyncset.s32 $0xFFFFF086  }
0x25: {  	[simem:s6], [sflag:s4] =	dma.local [hbm:s3], $0xF7A  }
0x26: {  	[smem:$0x3F99] =	sst s1;
	(tag) =	ssettag s2;
	_ =	strace s9  }
0x27: {  	s1 =	sld [smem:$0x3FA9]  }
0x28: {  	s2 =	sld [smem:$0x3FAA]  }
0x29: {  	s4 =	sld [smem:$0x3FAC]  }
0x2a: {  	p0 =	seq.s32 s5, $0x0;
	s5 =	sld [smem:$0x3FAD]  }
0x2b: {  	s6 =	sld [smem:$0x3FAE]  }
0x2c: {  	s7 =	sld [smem:$0x3FAF]  }
0x2d: {  	s3 =	simm.s32 $0x108;
	s8 =	sld [smem:$0x3FB0]  }
0x2e: {  	s3 =	simm.s32 @!p0 $0x1082;
	s9 =	sld [smem:$0x3FB1]  }
0x2f: {  	lr =	sadd.s32 s0, s3;
	s0 =	sld [smem:$0x3FA8]  }
0x30: {  	s3 =	sld [smem:$0x3FAB]  }
0x31: {  	[smem:$0x3FB4] =	sst s10  }
0x32: {  	s10 =	sld [smem:$0x3FB2];
	_ =	sdelay $0x3  }
0x33: {  	p0 =	seq.s32 s10, $0x1;
	s10 =	sld [smem:$0x3FB4];
	_ =	sdelay $0x3  }
0x34: {  	[smem:$0x3FB4] =	sst s10  }
0x35: {  	s10 =	sld [smem:$0x3FB3];
	_ =	sdelay $0x3  }
0x36: {  	p1 =	seq.s32 s10, $0x1;
	s10 =	sld [smem:$0x3FB4];
	_ =	sdelay $0x3  }
0x37: {  	[smem:$0x3FB4] =	sst s10  }
0x38: {  	s10 =	sld [smem:$0x3FB5]  }
0x39: {  	_ = 	snop;
	(pc) =	sbr.ind lr, $3  }
0x3a: {  	_ = 	snop  }
0x3b: {  	_ = 	snop  }
0x3c: {  	p2 =	seq.s32 s10, $0x1;
	s10 =	sld [smem:$0x3FB4]  }
0x3d: {  	_ =	shalt  }
0x3e: {  	_ =	shalt  }
0x3f: {  	_ =	shalt  }
0x40: {  	_ =	shalt  }
0x41: {  	_ =	shalt  }
0x42: {  	_ =	shalt  }
0x43: {  	_ =	shalt  }
0x44: {  	_ =	shalt  }
0x45: {  	_ =	shalt  }
0x46: {  	_ =	shalt  }
0x47: {  	_ =	shalt  }
0x48: {  	_ =	shalt  }
0x49: {  	_ =	shalt  }
0x4a: {  	_ =	shalt  }
0x4b: {  	_ =	shalt  }
0x4c: {  	_ =	shalt  }
0x4d: {  	_ =	shalt  }
0x4e: {  	_ =	shalt  }
0x4f: {  	_ =	shalt  }
0x50: {  	_ =	shalt  }
0x51: {  	_ =	shalt  }
0x52: {  	_ =	shalt  }
0x53: {  	_ =	shalt  }
0x54: {  	_ =	shalt  }
0x55: {  	_ =	shalt  }
0x56: {  	_ =	shalt  }
0x57: {  	_ =	shalt  }
0x58: {  	_ =	shalt  }
0x59: {  	_ =	shalt  }
0x5a: {  	_ =	shalt  }
0x5b: {  	_ =	shalt  }
0x5c: {  	_ =	shalt  }
0x5d: {  	_ =	shalt  }
0x5e: {  	_ =	shalt  }
0x5f: {  	_ =	shalt  }
0x60: {  	_ =	shalt  }
0x61: {  	_ =	shalt  }
0x62: {  	_ =	shalt  }
0x63: {  	_ =	shalt  }
0x64: {  	_ =	shalt  }
0x65: {  	_ =	shalt  }
0x66: {  	_ =	shalt  }
0x67: {  	_ =	shalt  }
0x68: {  	_ =	shalt  }
0x69: {  	_ =	shalt  }
0x6a: {  	_ =	shalt  }
0x6b: {  	_ =	shalt  }
0x6c: {  	_ =	shalt  }
0x6d: {  	_ =	shalt  }
0x6e: {  	_ =	shalt  }
0x6f: {  	_ =	shalt  }
0x70: {  	_ =	shalt  }
0x71: {  	_ =	shalt  }
0x72: {  	_ =	shalt  }
0x73: {  	_ =	shalt  }
0x74: {  	_ =	shalt  }
0x75: {  	_ =	shalt  }
0x76: {  	_ =	shalt  }
0x77: {  	_ =	shalt  }
0x78: {  	_ =	shalt  }
0x79: {  	_ =	shalt  }
0x7a: {  	_ =	shalt  }
0x7b: {  	_ =	shalt  }
0x7c: {  	_ =	shalt  }
0x7d: {  	_ =	shalt  }
0x7e: {  	_ =	shalt  }
0x7f: {  	_ =	shalt  }
0x80: {  	_ =	shalt  }
0x81: {  	_ =	shalt  }
0x82: {  	_ =	shalt  }
0x83: {  	_ =	shalt  }
0x84: {  	_ =	shalt  }
0x85: {  	_ =	shalt  }
0x86: {  	_ =	shalt  }
0x87: {  	_ =	shalt  }
.Lfunc_end0:
.L_simem_size_0:
called_computation.3_lowered:
.L_overlay_start_0:
0x88: {  	s2 =	sld [smem:$0x3FD9]  }
0x89: {  	s3 =	sld [smem:$0x3FFE];
	_ =	sdelay $0x1  }
0x8a: {  	s1 =	srdreg.scid  }
0x8b: {  	s0 =	sand.u32 $0x1, s1  }
0x8c: {  	s17 =	sshll.u32 s0, $0xA;
	s2 =	sadd.s32 s3, s2  }
0x8d: {  	s2 =	sadd.s32 s2, s17  }
0x8e: {  	[smem:$0x3FC0] =	sst s2  }
0x8f: {  	_ = 	snop  }
0x90: {  	s2 =	sld [smem:$0x3FD0];
	(tm) =	ssettm $0x1  }
0x91: {  	s18 =	sld [smem:$0x3FFB];
	_ =	sdelay $0x3  }
0x92: {  	_ =	strace s18  }
0x93: {  	s3 =	sld [smem:$0x3FFC];
	_ =	sdelay $0x3  }
0x94: {  	_ =	strace s3  }
0x95: {  	s3 =	sld [smem:$0x3FFD];
	_ =	sdelay $0x3  }
0x96: {  	_ =	strace s3  }
0x97: {  	_ =	strace $0x8FFFFFFF  }
0x98: {  	s19 =	sld [smem:$0x3FDB];
	_ =	sdelay $0x1  }
0x99: {  	s4 =	simm.s32 $_scs_section_size  }
0x9a: {  	s5 =	simm.s32 $_size__tile_overlayer_lowered;
	s6 =	simm.s32 $_tile_overlayer_lowered  }
0x9b: {  	s22 =	simm.s32 $0x1BFF;
	s21 =	sshll.u32 s6, $0x1;
	s3 =	sadd.s32 s4, s19  }
0x9c: {  	s7 =	simm.s32 $0x0;
	s20 =	sshll.u32 s5, $0x1;
	s5 =	sadd.s32 s21, s3  }
0x9d: {  	[timem:s7], [sflag:s22] =	dma.local [hbm:s5], s20  }
0x9e: {  	_ =	swait.ge [sflag:s22], s20  }
0x9f: {  	s4 =	ssub.s32 $0x0, s20;
	[sflag:s22] =	ssyncset.done $0x0  }
0xa0: {  	[sflag:s22] =	ssyncadd.s32 s4;
	_ =	sdelay $0x1  }
0xa1: {  	s23 =	simm.s32 $0x1B8B  }
0xa2: {  	_ =	swait.ge [sflag:s23], $0x1  }
0xa3: {  	[sflag:s23] =	ssyncset.done $0x0  }
0xa4: {  	s25 =	simm.s32 $0x1B8E;
	s24 =	sld [smem:$0x3FFE];
	[sflag:s23] =	ssyncadd.s32 $0xFFFFFFFF  }
0xa5: {  	s26 =	simm.s32 $execute0_lowered;
	[smem:$0x3FD2] =	sst s25  }
0xa6: {  	s5 =	sshll.u32 s26, $0x1;
	_ =	strace $0x8000004F;
	[dreg:$0x1] =	wrdreg $0xFFFFFFFF  }
0xa7: {  	s28 =	simm.s32 $_size_execute0_lowered;
	s3 =	sadd.s32 s3, s5;
	[dreg:$0x0] =	wrdreg $0x0  }
0xa8: {  	s5 =	sshll.u32 s28, $0x1;
	[dreg:$0x2] =	wrdreg s3  }
0xa9: {  	[dreg:$0x3] =	wrdreg s5  }
0xaa: {  	[dreg:$0x4] =	wrdreg $0xC0  }
0xab: {  	_ =	task [dreg:s7], $0x5FFFF  }
0xac: {  	[dreg:$0x1] =	wrdreg $0xFFFFFFFF  }
0xad: {  	[dreg:$0x0] =	wrdreg $0x60  }
0xae: {  	[dreg:$0x2] =	wrdreg s2  }
0xaf: {  	[dreg:$0x3] =	wrdreg s24  }
0xb0: {  	[dreg:$0x4] =	wrdreg $0x94000  }
0xb1: {  	[dreg:$0x5] =	wrdreg $0x9  }
0xb2: {  	_ =	task.clear_ibuf [dreg:s7], $0x6FFFF;
	_ =	strace $0x9000004F  }
0xb3: {  	s29 =	simm.s32 $0x9;
	_ =	strace $0x80000051  }
0xb4: {  	_ =	swait.ge [sflag:s29], $0x1  }
0xb5: {  	[sflag:s29] =	ssyncadd.s32 $0xFFFFFFFF  }
0xb6: {  	_ =	strace $0x90000051  }
0xb7: {  	_ =	sfence  }
0xb8: {  	s30 =	sld [smem:$0x0];
	_ =	sdelay $0x2  }
0xb9: {  	s31 =	sshll.u32 s1, $0xD;
	s1 =	sshrl.u32 s1, $0x2  }
0xba: {  	s3 =	sand.u32 $0x4000, s31;
	s1 =	sadd.s32 s1, s30  }
0xbb: {  	s0 =	sor.u32 s3, s0;
	s1 =	sshll.u32 s1, $0x11  }
0xbc: {  	s0 =	sor.u32 s1, s0  }
0xbd: {  	s0 =	sadd.s32 $0x8F2B, s0  }
0xbe: {  	[sflag:s0] =	ssyncadd.remote.s32 $0x1  }
0xbf: {  	_ =	sfence.sel $0xFFFF  }
0xc0: {  	[dreg:$0x0] =	wrdreg $0xFFFFFFFF;
	(pc) =	sbr.abs _section_cstart, $3  }
0xc1: {  	[dreg:$0x1] =	wrdreg $0xFFFFFFFF  }
0xc2: {  	_ =	task.clear_ibuf [dreg:s7], $0x2FFFF;
	_ =	strace $0x9FFFFFFF  }
0xc3: {  	(tm) =	ssettm $0x7FFFFFFF  }
tec
execute0_lowered:
.L_overlay_start_1:
0x0: {  	(tag) =	ssettag $0x1  }
0x1: {  	s1 =	rddreg [dreg:$0x0]  }
0x2: {  	s6 =	rddreg [dreg:$0x1];
	s2 =	srdreg.scid  }
0x3: {  	s0 =	stileid.u32;
	s3 =	rddreg [dreg:$0x2];
	s4 =	simm.s32 $0x0  }
0x4: {  	s12 =	simm.s32 $0x2C00;
	s15 =	simm.s32 $0x1;
	s16 =	simm.s32 $0x5580  }
0x5: {  	s5 =	sand.u32 $0x1, s2;
	s2 =	rddreg [dreg:$0x3];
	s11 =	smul.u32 $0x50000, s0  }
0x6: {  	s7 =	sshll.u32 s0, $0x1;
	[smem:$0x7FF] =	sst s4;
	s18 =	smul.u32 $0x2800, s0  }
0x7: {  	s13 =	sshll.u32 s0, $0x6;
	s7 =	sor.u32 s5, s7;
	_ =	strace $0x80000050  }
0x8: {  	s8 =	smul.u32 $0x28000, s5;
	s9 =	ssub.s32 $0x2, s5;
	s5 =	sadd.s32 $0x19200, s6  }
0x9: {  	s13 =	sor.u32 $0x1C02, s13;
	s7 =	smul.u32 $0x580, s7;
	s10 =	sshrl.u32 s9, $0x1  }
0xa: {  	s31 =	sshrl.u32 s11, $0x2;
	s11 =	simm.s32 $0x5800;
	s8 =	sadd.s32 s8, s6  }
0xb: {  	s9 =	ssub.s32 s9, s10;
	s14 =	sadd.s32 s31, s3;
	s10 =	simm.s32 $0x78  }
0xc: {  	s7 =	sadd.s32 s7, s6;
	s17 =	sadd.s32 $0x1BA00, s8;
	s8 =	smax.u32 s9, $0x1  }
0xd: {  	s9 =	simm.s32 $0x2;
	s14 =	sshrl.u32 s14, $0x3;
	s6 =	sadd.s32 $0xE200, s7  }
0xe: {  	s7 =	sadd.s32 $0x2E00, s7;
	s17 =	sadd.s32 s18, s17;
	s18 =	simm.s32 $0x0  }
.LBB2_1:
0xf: {  	[tilespmem:s4], [sflag:$0x2] =	stream.linear.gather [hbm4b:s6+s4], $0x2A00, $0x38;
	[tilespmem:$0x1D400] =	vst v63  }
0x10: {  	_ =	swait.ge [sflag:s9], $0x2A00  }
0x11: {  	[sflag:s9] =	ssyncset.done $0x0  }
0x12: {  	[sflag:s9] =	ssyncadd.s32 $0xFFFFD600  }
0x13: {  	[tilespmem:s11], [sflag:$0x1] =	stream.indirect.gather [hbm4b:s1+s10], $0x80, s4, s10, $0xb8;
	[tilespmem:$0x1D400] =	vst v63  }
0x14: {  	_ = 	snop  }
0x15: {  	[tilespmem:s12], [sflag:$0x2] =	stream.linear.gather [hbm4b:s7+s4], $0x2A00, $0x38;
	[tilespmem:$0x1D400] =	vst v63  }
0x16: {  	_ =	swait.ge [sflag:s9], $0x2A00  }
0x17: {  	[sflag:s9] =	ssyncset.done $0x0  }
0x18: {  	[sflag:s9] =	ssyncadd.s32 $0xFFFFD600  }
0x19: {  	[spmem:s14], [sflag:s13] =	dma.local [hbm:s5], $0x2800  }
0x1a: {  	_ =	swait.ge [sflag:s9], $0x2800  }
0x1b: {  	[sflag:s9] =	ssyncset.done $0x0  }
0x1c: {  	[sflag:s9] =	ssyncadd.s32 $0xFFFFD800  }
0x1d: {  	[bflag:$0x0] =	sbarrier.arrive $0xFFFF  }
0x1e: {  	_ =	swait.ge [sflag:s15], $0x3C00  }
0x1f: {  	[sflag:s15] =	ssyncset.done $0x0  }
0x20: {  	s19 =	simm.s32 $0x2C00;
	[sflag:s15] =	ssyncadd.s32 $0xFFFFC400  }
0x21: {  	[spmem:s3] =	stream.indirect.scatter.add.f32 [tilespmem:s11], [sflag:$0x2], $0x80, s19, s10, $0xb8;
	[tilespmem:$0x1D400] =	vst v63  }
0x22: {  	_ =	swait.ge [sflag:s9], $0x3C00  }
0x23: {  	[sflag:s9] =	ssyncset.done $0x0  }
0x24: {  	s20 =	simm.s32 $0x80;
	s19 =	simm.s32 $0x200;
	[sflag:s9] =	ssyncadd.s32 $0xFFFFC400  }
.LBB2_2:
0x25: {  	[tilespmem:s11], [sflag:$0x1] =	stream.indirect.gather [hbm4b:s1+s10], $0x80, s20, s10, $0xb8;
	[tilespmem:$0x1D400] =	vst v63  }
0x26: {  	s20 =	smov.u32 s19  }
0x27: {  	p0 =	sne.s32 s19, $0xA400;
	s19 =	sadd.s32 $0x200, s19;
	_ =	swait.ge [sflag:s15], $0x3C00  }
0x28: {  	s20 =	sshra.s32 s20, $0x2;
	[sflag:s15] =	ssyncset.done $0x0  }
.Ltmp0:
0x29: {  	s21 =	sadd.s32 $0x2C00, s20;
	[sflag:s15] =	ssyncadd.s32 $0xFFFFC400;
	(pc) =	sbr.rel @p0 .LBB2_2-.Ltmp0, $4  }
0x2a: {  	[spmem:s3] =	stream.indirect.scatter.add.f32 [tilespmem:s11], [sflag:$0x2], $0x80, s21, s10, $0xb8;
	[tilespmem:$0x1D400] =	vst v63  }
0x2b: {  	_ =	swait.ge [sflag:s9], $0x3C00  }
0x2c: {  	[sflag:s9] =	ssyncset.done $0x0  }
0x2d: {  	s20 =	sadd.s32 $0x80, s20;
	[sflag:s9] =	ssyncadd.s32 $0xFFFFC400  }
0x2e: {  	[tilespmem:s11], [sflag:$0x1] =	stream.indirect.gather [hbm4b:s1+s10], $0x80, s20, s10, $0xb8;
	[tilespmem:$0x1D400] =	vst v63  }
0x2f: {  	_ =	swait.ge [sflag:s15], $0x3C00  }
0x30: {  	[sflag:s15] =	ssyncset.done $0x0  }
0x31: {  	[sflag:s15] =	ssyncadd.s32 $0xFFFFC400  }
0x32: {  	[spmem:s3] =	stream.indirect.scatter.add.f32 [tilespmem:s11], [sflag:$0x2], $0x80, s16, s10, $0xb8;
	[tilespmem:$0x1D400] =	vst v63  }
0x33: {  	_ =	swait.ge [sflag:s9], $0x3C00  }
0x34: {  	s18 =	sadd.s32 $0x1, s18;
	[sflag:s9] =	ssyncset.done $0x0  }
0x35: {  	p0 =	sne.s32 s18, s8;
	[sflag:s9] =	ssyncadd.s32 $0xFFFFC400  }
.Ltmp1:
0x36: {  	[bflag:$0x0] =	sbarrier.arrive $0xFFFF;
	(pc) =	sbr.rel @p0 .LBB2_1-.Ltmp1, $4  }
0x37: {  	[hbm:s17], [sflag:s13] =	dma.local [spmem:s14], $0x2800  }
0x38: {  	_ =	swait.ge [sflag:s9], $0x2800  }
0x39: {  	[sflag:s9] =	ssyncset.done $0x0  }
0x3a: {  	[sflag:s9] =	ssyncadd.s32 $0xFFFFD800  }
0x3b: {  	_ =	sfence.sel $0x180000  }
0x3c: {  	[bflag:$0x0] =	sbarrier.arrive $0xFFFF  }
0x3d: {  	p0 =	sne.s32 s0, $0x0;
	_ =	strace $0x90000050  }
0x3e: {  	s0 =	sadd.s32 @!p0 $0x100000, s2;
	[bflag:$0x2] =	sbarrier.arrive $0xFFFF  }
0x3f: {  	[sflag:s0] =	ssyncadd.tile.s32 @!p0 $0x1;
	_ =	shalt  }
.Lfunc_end2:
_tile_overlayer_lowered:
.L_overlay_start_2:
0x40: {  	(tag) =	ssettag $0x2  }
0x41: {  	s0 =	rddreg [dreg:$0x0];
	s2 =	stileid.u32  }
0x42: {  	s1 =	rddreg [dreg:$0x1];
	p0 =	sne.s32 s2, $0x0  }
0x43: {  	s3 =	rddreg [dreg:$0x2];
	[bflag:$0x3] =	sbarrier.arrive $0xFFFF;
	s2 =	simm.s32 @!p0 $0x1C02  }
0x44: {  	[timem:s3], [sflag:s2] =	dma.local @!p0 [hbm:s0], s1  }
0x45: {  	s0 =	simm.s32 @!p0 $0x2  }
0x46: {  	_ =	swait.ge @!p0 [sflag:s0], s1  }
0x47: {  	s1 =	ssub.s32 @!p0 $0x0, s1;
	[sflag:s0] =	ssyncset.done @!p0 $0x0  }
0x48: {  	[sflag:s0] =	ssyncadd.s32 @!p0 s1  }
0x49: {  	[bflag:$0x3] =	sbarrier.arrive $0xFFFF  }
0x4a: {  	_ =	shalt  }

</sc_bundles>
